<compile_context>
chip_gen: v7x
topology: tpu7x:2x2x1
jax: 0.10.2.dev20260603
libtpu: 0.0.44.dev20260713+nightly
codegen_flags: <defaults>
</compile_context>

<pallas_src>
import functools

import jax
import jax.numpy as jnp
from jax import lax
from jax.experimental import pallas as pl
from jax.experimental.pallas import tpu as pltpu
from jax.experimental.pallas import tpu_sc as plsc


def _make_sc_kernel(L, B, C, H, W, T, sc_start):
    HW = H * W
    NW = 32
    SC_TOKS = L * HW - sc_start
    TOK_W = SC_TOKS // NW
    assert TOK_W % T == 0 and SC_TOKS <= HW and sc_start >= (L - 1) * HW
    NCHUNK = TOK_W // T
    CB = C // 16

    mesh = plsc.VectorSubcoreMesh(core_axis_name="c", subcore_axis_name="s")
    assert T == W

    @functools.partial(
        pl.kernel,
        mesh=mesh,
        out_type=jax.ShapeDtypeStruct((SC_TOKS * B, C), jnp.float32),
        scratch_types=[
            pltpu.VMEM((C, T), jnp.float32),
            pltpu.VMEM((C, T), jnp.float32),
            pltpu.VMEM((T, C), jnp.float32),
            pltpu.VMEM((C,), jnp.float32),
            pltpu.VMEM((C,), jnp.int32),
            pltpu.VMEM((C,), jnp.int32),
            pltpu.VMEM((C,), jnp.int32),
            pltpu.VMEM((T,), jnp.int32),
            pltpu.VMEM((T,), jnp.int32),
            pltpu.SemaphoreType.DMA,
            pltpu.SemaphoreType.DMA,
            pltpu.SemaphoreType.DMA,
        ],
        compiler_params=pltpu.CompilerParams(
            needs_layout_passes=False, use_tc_tiling_on_sc=False
        ),
    )
    def k(feats_hbm, emb_hbm, out_hbm, in_v0, in_v1, out_v0, emb_v,
          iidx_v0, iidx_v1, ipat_v, oidx_v, opat_v, is0, is1, os0):
        cid = lax.axis_index("c")
        sid = lax.axis_index("s")
        wid = sid * 2 + cid
        g0 = sc_start + wid * TOK_W
        lvl = g0 // HW
        tok0 = g0 % HW
        pltpu.sync_copy(emb_hbm.at[pl.ds(lvl * C, C)], emb_v)
        embs = [emb_v[pl.ds(cb * 16, 16)] for cb in range(CB)]
        cidxs = [jnp.int32(cb * 16) + lax.iota(jnp.int32, 16) for cb in range(CB)]
        lane = lax.iota(jnp.int32, 16)

        for q in range(C // 16):
            cvec = jnp.full((16,), q * 16, jnp.int32) + lane
            ipat_v[pl.ds(q * 16, 16)] = cvec * H
        for q in range(T // 16):
            tvec = jnp.full((16,), q * 16, jnp.int32) + lane
            opat_v[pl.ds(q * 16, 16)] = tvec * B

        in_bufs = (in_v0, in_v1)
        iidx_bufs = (iidx_v0, iidx_v1)
        in_sems = (is0, is1)
        units = [(b, ci) for b in range(B) for ci in range(NCHUNK)]

        def start_in(g):
            b, ci = units[g]
            s = g % 2
            base = ((lvl * B + b) * C) * H + (tok0 + ci * T) // W
            bspl = jnp.full((16,), base, jnp.int32)
            for q in range(C // 16):
                sl = pl.ds(q * 16, 16)
                iidx_bufs[s][sl] = ipat_v[sl] + bspl
            return pltpu.async_copy(
                feats_hbm.at[iidx_bufs[s]], in_bufs[s], in_sems[s]
            )

        def start_out(g):
            b, ci = units[g]
            obase = (lvl * HW + tok0 + ci * T - sc_start) * B + b
            ospl = jnp.full((16,), obase, jnp.int32)
            for q in range(T // 16):
                sl = pl.ds(q * 16, 16)
                oidx_v[sl] = opat_v[sl] + ospl
            return pltpu.async_copy(out_v0, out_hbm.at[oidx_v], os0)

        def compute(in_v, out_v):
            def tok_body(t, _):
                tsplat = jnp.full((16,), t, jnp.int32)
                vecs = [
                    plsc.load_gather(in_v, [cidxs[cb], tsplat])
                    for cb in range(CB)
                ]
                res = [vecs[cb] + embs[cb] for cb in range(CB)]
                for cb in range(CB):
                    out_v[t, pl.ds(cb * 16, 16)] = res[cb]
                return 0

            lax.fori_loop(0, T, tok_body, 0)

        n = len(units)
        h_in = {}
        h_out = {}
        h_in[0] = start_in(0)
        for g in range(n):
            s = g % 2
            if g + 1 < n:
                h_in[g + 1] = start_in(g + 1)
            h_in.pop(g).wait()
            if g - 1 >= 0:
                h_out[g - 1].wait()
            compute(in_bufs[s], out_v0)
            h_out[g] = start_out(g)
        h_out[n - 1].wait()

    return k


def _tc_body(feats_ref, embed_ref, out_ref):
    B = feats_ref.shape[1]
    C = feats_ref.shape[2]
    hb = feats_ref.shape[3]
    W = feats_ref.shape[4]
    e = embed_ref[0]
    for b in range(B):
        x = feats_ref[0, b].reshape(C, hb * W)
        out_ref[:, b, :] = x.T + e


def _tc_kernel(feats, embed_weight, n_units, hb=8):
    L, B, C, H, W = feats.shape
    n_hblk = H // hb
    return pl.pallas_call(
        _tc_body,
        grid=(n_units,),
        in_specs=[
            pl.BlockSpec(
                (1, B, C, hb, W), lambda u: (u // n_hblk, 0, 0, u % n_hblk, 0)
            ),
            pl.BlockSpec((1, 1, C), lambda u: (u // n_hblk, 0, 0)),
        ],
        out_specs=pl.BlockSpec((hb * W, B, C), lambda u: (u, 0, 0)),
        out_shape=jax.ShapeDtypeStruct((L * H * W, B, C), feats.dtype),
    )(feats, embed_weight.reshape(L, 1, C))


def _copy_body(sc_ref, full_ref, out_ref):
    out_ref[...] = sc_ref[...]


def _assemble(sc_part, full, sc_start, blk=1024):
    n = sc_part.shape[0] // blk
    _, B, C = full.shape
    return pl.pallas_call(
        _copy_body,
        grid=(n,),
        in_specs=[
            pl.BlockSpec((blk, B, C), lambda u: (u, 0, 0)),
            pl.BlockSpec(memory_space=pl.ANY),
        ],
        out_specs=pl.BlockSpec(
            (blk, B, C), lambda u: (sc_start // blk + u, 0, 0)
        ),
        out_shape=jax.ShapeDtypeStruct(full.shape, full.dtype),
        input_output_aliases={1: 0},
    )(sc_part, full)


def kernel(feats, level_start_idx, spatial_shapes, embed_weight):
    L, B, C, H, W = feats.shape
    HB = 8
    N_TC_UNITS = 60
    sc_start = N_TC_UNITS * HB * W
    sck = _make_sc_kernel(L, B, C, H, W, T=128, sc_start=sc_start)
    sc2d = sck(
        feats.reshape(L * B * C * H, W),
        embed_weight.reshape(L * C),
    )
    full = _tc_kernel(feats, embed_weight, N_TC_UNITS, hb=HB)
    sc_part = sc2d.reshape(L * H * W - sc_start, B, C)
    return _assemble(sc_part, full, sc_start)

# --- scband reference (transcript-rebuilt; emitter-appended) ---
"""Pipeline reference for scband-level-embed-9620726743865 (READ-ONLY COPY).

The authoritative reference and input builder live on the scoring server;
editing this copy changes nothing except your own understanding.
"""

import jax, jax.numpy as jnp
import numpy as np


def setup_inputs(seed: int = 0) -> dict:
    key = jax.random.key(seed)
    k1, k2 = jax.random.split(key)
    L, B, C, H, W = 4, 2, 256, 128, 128
    feats = jax.random.normal(k1, (L, B, C, H, W), dtype=jnp.float32)
    level_start_idx = jnp.arange(L, dtype=jnp.int32)
    spatial_shapes = jnp.full((L, 2), H, dtype=jnp.int32)
    # learned parameter: nn.Embedding(num_levels=4, d_model=256).weight
    embed_weight = jax.random.normal(k2, (L, C), dtype=jnp.float32) * 0.02
    return {
        "feats": feats,
        "level_start_idx": level_start_idx,
        "spatial_shapes": spatial_shapes,
        "embed_weight": embed_weight,
    }


def reference(feats, level_start_idx, spatial_shapes, embed_weight):
    # Faithful translation of LevelEmbed.forward:
    # for each level: flatten spatial dims, permute to (HW, B, C),
    # add the per-level learned embedding, then concat along token dim.
    L, B, C, H, W = feats.shape
    out_parts = []
    for lvl in range(L):
        feat = feats[lvl]                       # (B, C, H, W)
        flat = feat.reshape(B, C, H * W)        # flatten(2)
        flat = jnp.transpose(flat, (2, 0, 1))   # permute(2, 0, 1) -> (HW, B, C)
        flat = flat + embed_weight[lvl][None, None, :]
        out_parts.append(flat)
    return jnp.concatenate(out_parts, axis=0)   # (L*H*W, B, C)

if __name__ == "__main__":
    import jax
    _d = setup_inputs()
    print(jax.jit(kernel)(*tuple(_d.values())))

</pallas_src>

<mosaic_0001>
#map = affine_map<(d0, d1) -> (0, 0)>
#map1 = affine_map<(d0, d1) -> (0)>
module attributes {stable_mosaic.version = 14 : i64} {
  func.func @k(%arg0: i32, %arg1: i32, %arg2: memref<262144x128xf32, #tpu.memory_space<hbm>>, %arg3: memref<1024xf32, #tpu.memory_space<hbm>>, %arg4: memref<8192x256xf32, #tpu.memory_space<hbm>>, %arg5: memref<256x128xf32, #tpu.memory_space<vmem>>, %arg6: memref<256x128xf32, #tpu.memory_space<vmem>>, %arg7: memref<128x256xf32, #tpu.memory_space<vmem>>, %arg8: memref<256xf32, #tpu.memory_space<vmem>>, %arg9: memref<256xi32, #tpu.memory_space<vmem>>, %arg10: memref<256xi32, #tpu.memory_space<vmem>>, %arg11: memref<256xi32, #tpu.memory_space<vmem>>, %arg12: memref<128xi32, #tpu.memory_space<vmem>>, %arg13: memref<128xi32, #tpu.memory_space<vmem>>, %arg14: memref<!tpu.dma_semaphore, #tpu.memory_space<semaphore_mem>>, %arg15: memref<!tpu.dma_semaphore, #tpu.memory_space<semaphore_mem>>, %arg16: memref<!tpu.dma_semaphore, #tpu.memory_space<semaphore_mem>>) attributes {dimension_semantics = [#tpu.dimension_semantics<core_parallel>, #tpu.dimension_semantics<subcore_parallel>], iteration_bounds = array<i64: 2, 16>, scalar_prefetch = 0 : i64, scratch_operands = 12 : i64, tpu.core_type = #tpu.core_type<sc_vector_subcore>, window_params = [{transform_indices = #map}, {transform_indices = #map1}, {transform_indices = #map}]} {
    %mul3A = arith.constant 2 : i32
    %mul3A_0 = arith.muli %arg1, %mul3A : i32
    %add3A = arith.addi %mul3A_0, %arg0 : i32
    %mul3A_1 = arith.constant 128 : i32
    %mul3A_2 = arith.muli %add3A, %mul3A_1 : i32
    %add3A_3 = arith.constant 61440 : i32
    %add3A_4 = arith.addi %add3A_3, %mul3A_2 : i32
    %jit3A = arith.constant 16384 : i32
    %div3A = arith.divsi %add3A_4, %jit3A : i32
    %sign3A = arith.constant 0 : i32
    %sign3A_5 = arith.cmpi sgt, %add3A_4, %sign3A : i32
    %sign3A_6 = arith.extui %sign3A_5 : i1 to i32
    %sign3A_7 = arith.constant 0 : i32
    %sign3A_8 = arith.cmpi slt, %add3A_4, %sign3A_7 : i32
    %sign3A_9 = arith.extui %sign3A_8 : i1 to i32
    %sign3A_10 = arith.subi %sign3A_6, %sign3A_9 : i32
    %sign3A_11 = arith.constant 0 : i32
    %sign3A_12 = arith.cmpi sgt, %jit3A, %sign3A_11 : i32
    %sign3A_13 = arith.extui %sign3A_12 : i1 to i32
    %sign3A_14 = arith.constant 0 : i32
    %sign3A_15 = arith.cmpi slt, %jit3A, %sign3A_14 : i32
    %sign3A_16 = arith.extui %sign3A_15 : i1 to i32
    %sign3A_17 = arith.subi %sign3A_13, %sign3A_16 : i32
    %ne3A = arith.cmpi ne, %sign3A_10, %sign3A_17 : i32
    %rem3A = arith.remsi %add3A_4, %jit3A : i32
    %ne3A_18 = arith.constant 0 : i32
    %ne3A_19 = arith.cmpi ne, %rem3A, %ne3A_18 : i32
    %and3A = arith.andi %ne3A, %ne3A_19 : i1
    %sub3A = arith.constant 1 : i32
    %sub3A_20 = arith.subi %div3A, %sub3A : i32
    %select_n3A = arith.select %and3A, %sub3A_20, %div3A : i32
    %jit3A_21 = arith.constant 16384 : i32
    %eq3A = arith.constant 0 : i32
    %eq3A_22 = arith.cmpi eq, %jit3A_21, %eq3A : i32
    %jit3A_23 = arith.constant 1 : i32
    %select_n3A_24 = arith.select %eq3A_22, %jit3A_23, %jit3A_21 : i32
    %rem3A_25 = arith.remsi %add3A_4, %select_n3A_24 : i32
    %ne3A_26 = arith.constant 0 : i32
    %ne3A_27 = arith.cmpi ne, %rem3A_25, %ne3A_26 : i32
    %lt3A = arith.constant 0 : i32
    %lt3A_28 = arith.cmpi slt, %rem3A_25, %lt3A : i32
    %lt3A_29 = arith.constant 0 : i32
    %lt3A_30 = arith.cmpi slt, %select_n3A_24, %lt3A_29 : i32
    %ne3A_31 = arith.xori %lt3A_28, %lt3A_30 : i1
    %and3A_32 = arith.andi %ne3A_31, %ne3A_27 : i1
    %add3A_33 = arith.addi %rem3A_25, %select_n3A_24 : i32
    %select_n3A_34 = arith.select %and3A_32, %add3A_33, %rem3A_25 : i32
    %mul3A_35 = arith.constant 256 : i32
    %mul3A_36 = arith.muli %select_n3A, %mul3A_35 : i32
    "tpu.region"() ({
      %run_scoped3A = tpu.sem_alloc : memref<!tpu.dma_semaphore, #tpu.memory_space<semaphore_mem>>
      %dma_start3A_693 = tpu.memref_slice %arg3[%mul3A_36] : memref<1024xf32, #tpu.memory_space<hbm>> -> memref<256xf32, #tpu.memory_space<hbm>>
      %dma_start3A_694 = tpu.memref_slice %arg3[%mul3A_36] : memref<1024xf32, #tpu.memory_space<hbm>> -> memref<256xf32, #tpu.memory_space<hbm>>
      tpu.enqueue_dma source(%dma_start3A_694 : memref<256xf32, #tpu.memory_space<hbm>>) target(%arg8 : memref<256xf32, #tpu.memory_space<vmem>>) target_semaphore(%run_scoped3A : memref<!tpu.dma_semaphore, #tpu.memory_space<semaphore_mem>>)
      %dma_wait3A_695 = tpu.memref_slice %arg3[%mul3A_36] : memref<1024xf32, #tpu.memory_space<hbm>> -> memref<256xf32, #tpu.memory_space<hbm>>
      %dma_wait3A_696 = tpu.memref_slice %arg3[%mul3A_36] : memref<1024xf32, #tpu.memory_space<hbm>> -> memref<256xf32, #tpu.memory_space<hbm>>
      tpu.wait_dma2 semaphore(%run_scoped3A : memref<!tpu.dma_semaphore, #tpu.memory_space<semaphore_mem>>) src(%dma_wait3A_696 : memref<256xf32, #tpu.memory_space<hbm>>) dst(%arg8 : memref<256xf32, #tpu.memory_space<vmem>>)
      tpu.yield
    }) : () -> ()
    %get3A = arith.constant 0 : index
    %get3A_37 = tpu.vector_load %arg8[%get3A] {strides = array<i32>} : memref<256xf32, #tpu.memory_space<vmem>>, vector<16xf32>,
    %get3A_38 = arith.constant 16 : index
    %get3A_39 = tpu.vector_load %arg8[%get3A_38] {strides = array<i32>} : memref<256xf32, #tpu.memory_space<vmem>>, vector<16xf32>,
    %get3A_40 = arith.constant 32 : index
    %get3A_41 = tpu.vector_load %arg8[%get3A_40] {strides = array<i32>} : memref<256xf32, #tpu.memory_space<vmem>>, vector<16xf32>,
    %get3A_42 = arith.constant 48 : index
    %get3A_43 = tpu.vector_load %arg8[%get3A_42] {strides = array<i32>} : memref<256xf32, #tpu.memory_space<vmem>>, vector<16xf32>,
    %get3A_44 = arith.constant 64 : index
    %get3A_45 = tpu.vector_load %arg8[%get3A_44] {strides = array<i32>} : memref<256xf32, #tpu.memory_space<vmem>>, vector<16xf32>,
    %get3A_46 = arith.constant 80 : index
    %get3A_47 = tpu.vector_load %arg8[%get3A_46] {strides = array<i32>} : memref<256xf32, #tpu.memory_space<vmem>>, vector<16xf32>,
    %get3A_48 = arith.constant 96 : index
    %get3A_49 = tpu.vector_load %arg8[%get3A_48] {strides = array<i32>} : memref<256xf32, #tpu.memory_space<vmem>>, vector<16xf32>,
    %get3A_50 = arith.constant 112 : index
    %get3A_51 = tpu.vector_load %arg8[%get3A_50] {strides = array<i32>} : memref<256xf32, #tpu.memory_space<vmem>>, vector<16xf32>,
    %get3A_52 = arith.constant 128 : index
    %get3A_53 = tpu.vector_load %arg8[%get3A_52] {strides = array<i32>} : memref<256xf32, #tpu.memory_space<vmem>>, vector<16xf32>,
    %get3A_54 = arith.constant 144 : index
    %get3A_55 = tpu.vector_load %arg8[%get3A_54] {strides = array<i32>} : memref<256xf32, #tpu.memory_space<vmem>>, vector<16xf32>,
    %get3A_56 = arith.constant 160 : index
    %get3A_57 = tpu.vector_load %arg8[%get3A_56] {strides = array<i32>} : memref<256xf32, #tpu.memory_space<vmem>>, vector<16xf32>,
    %get3A_58 = arith.constant 176 : index
    %get3A_59 = tpu.vector_load %arg8[%get3A_58] {strides = array<i32>} : memref<256xf32, #tpu.memory_space<vmem>>, vector<16xf32>,
    %get3A_60 = arith.constant 192 : index
    %get3A_61 = tpu.vector_load %arg8[%get3A_60] {strides = array<i32>} : memref<256xf32, #tpu.memory_space<vmem>>, vector<16xf32>,
    %get3A_62 = arith.constant 208 : index
    %get3A_63 = tpu.vector_load %arg8[%get3A_62] {strides = array<i32>} : memref<256xf32, #tpu.memory_space<vmem>>, vector<16xf32>,
    %get3A_64 = arith.constant 224 : index
    %get3A_65 = tpu.vector_load %arg8[%get3A_64] {strides = array<i32>} : memref<256xf32, #tpu.memory_space<vmem>>, vector<16xf32>,
    %get3A_66 = arith.constant 240 : index
    %get3A_67 = tpu.vector_load %arg8[%get3A_66] {strides = array<i32>} : memref<256xf32, #tpu.memory_space<vmem>>, vector<16xf32>,
    %iota3A = tpu.iota {dimensions = array<i32: 0>} : vector<16xi32>
    %add3A_68 = arith.constant 0 : i32
    %add3A_69 = vector.broadcast %add3A_68 : i32 to vector<16xi32>
    %add3A_70 = arith.addi %add3A_69, %iota3A : vector<16xi32>
    %iota3A_71 = tpu.iota {dimensions = array<i32: 0>} : vector<16xi32>
    %add3A_72 = arith.constant 16 : i32
    %add3A_73 = vector.broadcast %add3A_72 : i32 to vector<16xi32>
    %add3A_74 = arith.addi %add3A_73, %iota3A_71 : vector<16xi32>
    %iota3A_75 = tpu.iota {dimensions = array<i32: 0>} : vector<16xi32>
    %add3A_76 = arith.constant 32 : i32
    %add3A_77 = vector.broadcast %add3A_76 : i32 to vector<16xi32>
    %add3A_78 = arith.addi %add3A_77, %iota3A_75 : vector<16xi32>
    %iota3A_79 = tpu.iota {dimensions = array<i32: 0>} : vector<16xi32>
    %add3A_80 = arith.constant 48 : i32
    %add3A_81 = vector.broadcast %add3A_80 : i32 to vector<16xi32>
    %add3A_82 = arith.addi %add3A_81, %iota3A_79 : vector<16xi32>
    %iota3A_83 = tpu.iota {dimensions = array<i32: 0>} : vector<16xi32>
    %add3A_84 = arith.constant 64 : i32
    %add3A_85 = vector.broadcast %add3A_84 : i32 to vector<16xi32>
    %add3A_86 = arith.addi %add3A_85, %iota3A_83 : vector<16xi32>
    %iota3A_87 = tpu.iota {dimensions = array<i32: 0>} : vector<16xi32>
    %add3A_88 = arith.constant 80 : i32
    %add3A_89 = vector.broadcast %add3A_88 : i32 to vector<16xi32>
    %add3A_90 = arith.addi %add3A_89, %iota3A_87 : vector<16xi32>
    %iota3A_91 = tpu.iota {dimensions = array<i32: 0>} : vector<16xi32>
    %add3A_92 = arith.constant 96 : i32
    %add3A_93 = vector.broadcast %add3A_92 : i32 to vector<16xi32>
    %add3A_94 = arith.addi %add3A_93, %iota3A_91 : vector<16xi32>
    %iota3A_95 = tpu.iota {dimensions = array<i32: 0>} : vector<16xi32>
    %add3A_96 = arith.constant 112 : i32
    %add3A_97 = vector.broadcast %add3A_96 : i32 to vector<16xi32>
    %add3A_98 = arith.addi %add3A_97, %iota3A_95 : vector<16xi32>
    %iota3A_99 = tpu.iota {dimensions = array<i32: 0>} : vector<16xi32>
    %add3A_100 = arith.constant 128 : i32
    %add3A_101 = vector.broadcast %add3A_100 : i32 to vector<16xi32>
    %add3A_102 = arith.addi %add3A_101, %iota3A_99 : vector<16xi32>
    %iota3A_103 = tpu.iota {dimensions = array<i32: 0>} : vector<16xi32>
    %add3A_104 = arith.constant 144 : i32
    %add3A_105 = vector.broadcast %add3A_104 : i32 to vector<16xi32>
    %add3A_106 = arith.addi %add3A_105, %iota3A_103 : vector<16xi32>
    %iota3A_107 = tpu.iota {dimensions = array<i32: 0>} : vector<16xi32>
    %add3A_108 = arith.constant 160 : i32
    %add3A_109 = vector.broadcast %add3A_108 : i32 to vector<16xi32>
    %add3A_110 = arith.addi %add3A_109, %iota3A_107 : vector<16xi32>
    %iota3A_111 = tpu.iota {dimensions = array<i32: 0>} : vector<16xi32>
    %add3A_112 = arith.constant 176 : i32
    %add3A_113 = vector.broadcast %add3A_112 : i32 to vector<16xi32>
    %add3A_114 = arith.addi %add3A_113, %iota3A_111 : vector<16xi32>
    %iota3A_115 = tpu.iota {dimensions = array<i32: 0>} : vector<16xi32>
    %add3A_116 = arith.constant 192 : i32
    %add3A_117 = vector.broadcast %add3A_116 : i32 to vector<16xi32>
    %add3A_118 = arith.addi %add3A_117, %iota3A_115 : vector<16xi32>
    %iota3A_119 = tpu.iota {dimensions = array<i32: 0>} : vector<16xi32>
    %add3A_120 = arith.constant 208 : i32
    %add3A_121 = vector.broadcast %add3A_120 : i32 to vector<16xi32>
    %add3A_122 = arith.addi %add3A_121, %iota3A_119 : vector<16xi32>
    %iota3A_123 = tpu.iota {dimensions = array<i32: 0>} : vector<16xi32>
    %add3A_124 = arith.constant 224 : i32
    %add3A_125 = vector.broadcast %add3A_124 : i32 to vector<16xi32>
    %add3A_126 = arith.addi %add3A_125, %iota3A_123 : vector<16xi32>
    %iota3A_127 = tpu.iota {dimensions = array<i32: 0>} : vector<16xi32>
    %add3A_128 = arith.constant 240 : i32
    %add3A_129 = vector.broadcast %add3A_128 : i32 to vector<16xi32>
    %add3A_130 = arith.addi %add3A_129, %iota3A_127 : vector<16xi32>
    %iota3A_131 = tpu.iota {dimensions = array<i32: 0>} : vector<16xi32>
    %broadcast_in_dim3A = arith.constant 0 : i32
    %broadcast_in_dim3A_132 = vector.broadcast %broadcast_in_dim3A : i32 to vector<16xi32>
    %add3A_133 = arith.addi %broadcast_in_dim3A_132, %iota3A_131 : vector<16xi32>
    %mul3A_134 = arith.constant 128 : i32
    %mul3A_135 = vector.broadcast %mul3A_134 : i32 to vector<16xi32>
    %mul3A_136 = arith.muli %add3A_133, %mul3A_135 : vector<16xi32>
    %swap3A = arith.constant 0 : index
    %swap3A_137 = tpu.vector_load %arg11[%swap3A] {strides = array<i32>} : memref<256xi32, #tpu.memory_space<vmem>>, vector<16xi32>,
    tpu.vector_store %arg11[%swap3A], %mul3A_136 {strides = array<i32>} : memref<256xi32, #tpu.memory_space<vmem>>, vector<16xi32>,
    %broadcast_in_dim3A_138 = arith.constant 16 : i32
    %broadcast_in_dim3A_139 = vector.broadcast %broadcast_in_dim3A_138 : i32 to vector<16xi32>
    %add3A_140 = arith.addi %broadcast_in_dim3A_139, %iota3A_131 : vector<16xi32>
    %mul3A_141 = arith.constant 128 : i32
    %mul3A_142 = vector.broadcast %mul3A_141 : i32 to vector<16xi32>
    %mul3A_143 = arith.muli %add3A_140, %mul3A_142 : vector<16xi32>
    %swap3A_144 = arith.constant 16 : index
    %swap3A_145 = tpu.vector_load %arg11[%swap3A_144] {strides = array<i32>} : memref<256xi32, #tpu.memory_space<vmem>>, vector<16xi32>,
    tpu.vector_store %arg11[%swap3A_144], %mul3A_143 {strides = array<i32>} : memref<256xi32, #tpu.memory_space<vmem>>, vector<16xi32>,
    %broadcast_in_dim3A_146 = arith.constant 32 : i32
    %broadcast_in_dim3A_147 = vector.broadcast %broadcast_in_dim3A_146 : i32 to vector<16xi32>
    %add3A_148 = arith.addi %broadcast_in_dim3A_147, %iota3A_131 : vector<16xi32>
    %mul3A_149 = arith.constant 128 : i32
    %mul3A_150 = vector.broadcast %mul3A_149 : i32 to vector<16xi32>
    %mul3A_151 = arith.muli %add3A_148, %mul3A_150 : vector<16xi32>
    %swap3A_152 = arith.constant 32 : index
    %swap3A_153 = tpu.vector_load %arg11[%swap3A_152] {strides = array<i32>} : memref<256xi32, #tpu.memory_space<vmem>>, vector<16xi32>,
    tpu.vector_store %arg11[%swap3A_152], %mul3A_151 {strides = array<i32>} : memref<256xi32, #tpu.memory_space<vmem>>, vector<16xi32>,
    %broadcast_in_dim3A_154 = arith.constant 48 : i32
    %broadcast_in_dim3A_155 = vector.broadcast %broadcast_in_dim3A_154 : i32 to vector<16xi32>
    %add3A_156 = arith.addi %broadcast_in_dim3A_155, %iota3A_131 : vector<16xi32>
    %mul3A_157 = arith.constant 128 : i32
    %mul3A_158 = vector.broadcast %mul3A_157 : i32 to vector<16xi32>
    %mul3A_159 = arith.muli %add3A_156, %mul3A_158 : vector<16xi32>
    %swap3A_160 = arith.constant 48 : index
    %swap3A_161 = tpu.vector_load %arg11[%swap3A_160] {strides = array<i32>} : memref<256xi32, #tpu.memory_space<vmem>>, vector<16xi32>,
    tpu.vector_store %arg11[%swap3A_160], %mul3A_159 {strides = array<i32>} : memref<256xi32, #tpu.memory_space<vmem>>, vector<16xi32>,
    %broadcast_in_dim3A_162 = arith.constant 64 : i32
    %broadcast_in_dim3A_163 = vector.broadcast %broadcast_in_dim3A_162 : i32 to vector<16xi32>
    %add3A_164 = arith.addi %broadcast_in_dim3A_163, %iota3A_131 : vector<16xi32>
    %mul3A_165 = arith.constant 128 : i32
    %mul3A_166 = vector.broadcast %mul3A_165 : i32 to vector<16xi32>
    %mul3A_167 = arith.muli %add3A_164, %mul3A_166 : vector<16xi32>
    %swap3A_168 = arith.constant 64 : index
    %swap3A_169 = tpu.vector_load %arg11[%swap3A_168] {strides = array<i32>} : memref<256xi32, #tpu.memory_space<vmem>>, vector<16xi32>,
    tpu.vector_store %arg11[%swap3A_168], %mul3A_167 {strides = array<i32>} : memref<256xi32, #tpu.memory_space<vmem>>, vector<16xi32>,
    %broadcast_in_dim3A_170 = arith.constant 80 : i32
    %broadcast_in_dim3A_171 = vector.broadcast %broadcast_in_dim3A_170 : i32 to vector<16xi32>
    %add3A_172 = arith.addi %broadcast_in_dim3A_171, %iota3A_131 : vector<16xi32>
    %mul3A_173 = arith.constant 128 : i32
    %mul3A_174 = vector.broadcast %mul3A_173 : i32 to vector<16xi32>
    %mul3A_175 = arith.muli %add3A_172, %mul3A_174 : vector<16xi32>
    %swap3A_176 = arith.constant 80 : index
    %swap3A_177 = tpu.vector_load %arg11[%swap3A_176] {strides = array<i32>} : memref<256xi32, #tpu.memory_space<vmem>>, vector<16xi32>,
    tpu.vector_store %arg11[%swap3A_176], %mul3A_175 {strides = array<i32>} : memref<256xi32, #tpu.memory_space<vmem>>, vector<16xi32>,
    %broadcast_in_dim3A_178 = arith.constant 96 : i32
    %broadcast_in_dim3A_179 = vector.broadcast %broadcast_in_dim3A_178 : i32 to vector<16xi32>
    %add3A_180 = arith.addi %broadcast_in_dim3A_179, %iota3A_131 : vector<16xi32>
    %mul3A_181 = arith.constant 128 : i32
    %mul3A_182 = vector.broadcast %mul3A_181 : i32 to vector<16xi32>
    %mul3A_183 = arith.muli %add3A_180, %mul3A_182 : vector<16xi32>
    %swap3A_184 = arith.constant 96 : index
    %swap3A_185 = tpu.vector_load %arg11[%swap3A_184] {strides = array<i32>} : memref<256xi32, #tpu.memory_space<vmem>>, vector<16xi32>,
    tpu.vector_store %arg11[%swap3A_184], %mul3A_183 {strides = array<i32>} : memref<256xi32, #tpu.memory_space<vmem>>, vector<16xi32>,
    %broadcast_in_dim3A_186 = arith.constant 112 : i32
    %broadcast_in_dim3A_187 = vector.broadcast %broadcast_in_dim3A_186 : i32 to vector<16xi32>
    %add3A_188 = arith.addi %broadcast_in_dim3A_187, %iota3A_131 : vector<16xi32>
    %mul3A_189 = arith.constant 128 : i32
    %mul3A_190 = vector.broadcast %mul3A_189 : i32 to vector<16xi32>
    %mul3A_191 = arith.muli %add3A_188, %mul3A_190 : vector<16xi32>
    %swap3A_192 = arith.constant 112 : index
    %swap3A_193 = tpu.vector_load %arg11[%swap3A_192] {strides = array<i32>} : memref<256xi32, #tpu.memory_space<vmem>>, vector<16xi32>,
    tpu.vector_store %arg11[%swap3A_192], %mul3A_191 {strides = array<i32>} : memref<256xi32, #tpu.memory_space<vmem>>, vector<16xi32>,
    %broadcast_in_dim3A_194 = arith.constant 128 : i32
    %broadcast_in_dim3A_195 = vector.broadcast %broadcast_in_dim3A_194 : i32 to vector<16xi32>
    %add3A_196 = arith.addi %broadcast_in_dim3A_195, %iota3A_131 : vector<16xi32>
    %mul3A_197 = arith.constant 128 : i32
    %mul3A_198 = vector.broadcast %mul3A_197 : i32 to vector<16xi32>
    %mul3A_199 = arith.muli %add3A_196, %mul3A_198 : vector<16xi32>
    %swap3A_200 = arith.constant 128 : index
    %swap3A_201 = tpu.vector_load %arg11[%swap3A_200] {strides = array<i32>} : memref<256xi32, #tpu.memory_space<vmem>>, vector<16xi32>,
    tpu.vector_store %arg11[%swap3A_200], %mul3A_199 {strides = array<i32>} : memref<256xi32, #tpu.memory_space<vmem>>, vector<16xi32>,
    %broadcast_in_dim3A_202 = arith.constant 144 : i32
    %broadcast_in_dim3A_203 = vector.broadcast %broadcast_in_dim3A_202 : i32 to vector<16xi32>
    %add3A_204 = arith.addi %broadcast_in_dim3A_203, %iota3A_131 : vector<16xi32>
    %mul3A_205 = arith.constant 128 : i32
    %mul3A_206 = vector.broadcast %mul3A_205 : i32 to vector<16xi32>
    %mul3A_207 = arith.muli %add3A_204, %mul3A_206 : vector<16xi32>
    %swap3A_208 = arith.constant 144 : index
    %swap3A_209 = tpu.vector_load %arg11[%swap3A_208] {strides = array<i32>} : memref<256xi32, #tpu.memory_space<vmem>>, vector<16xi32>,
    tpu.vector_store %arg11[%swap3A_208], %mul3A_207 {strides = array<i32>} : memref<256xi32, #tpu.memory_space<vmem>>, vector<16xi32>,
    %broadcast_in_dim3A_210 = arith.constant 160 : i32
    %broadcast_in_dim3A_211 = vector.broadcast %broadcast_in_dim3A_210 : i32 to vector<16xi32>
    %add3A_212 = arith.addi %broadcast_in_dim3A_211, %iota3A_131 : vector<16xi32>
    %mul3A_213 = arith.constant 128 : i32
    %mul3A_214 = vector.broadcast %mul3A_213 : i32 to vector<16xi32>
    %mul3A_215 = arith.muli %add3A_212, %mul3A_214 : vector<16xi32>
    %swap3A_216 = arith.constant 160 : index
    %swap3A_217 = tpu.vector_load %arg11[%swap3A_216] {strides = array<i32>} : memref<256xi32, #tpu.memory_space<vmem>>, vector<16xi32>,
    tpu.vector_store %arg11[%swap3A_216], %mul3A_215 {strides = array<i32>} : memref<256xi32, #tpu.memory_space<vmem>>, vector<16xi32>,
    %broadcast_in_dim3A_218 = arith.constant 176 : i32
    %broadcast_in_dim3A_219 = vector.broadcast %broadcast_in_dim3A_218 : i32 to vector<16xi32>
    %add3A_220 = arith.addi %broadcast_in_dim3A_219, %iota3A_131 : vector<16xi32>
    %mul3A_221 = arith.constant 128 : i32
    %mul3A_222 = vector.broadcast %mul3A_221 : i32 to vector<16xi32>
    %mul3A_223 = arith.muli %add3A_220, %mul3A_222 : vector<16xi32>
    %swap3A_224 = arith.constant 176 : index
    %swap3A_225 = tpu.vector_load %arg11[%swap3A_224] {strides = array<i32>} : memref<256xi32, #tpu.memory_space<vmem>>, vector<16xi32>,
    tpu.vector_store %arg11[%swap3A_224], %mul3A_223 {strides = array<i32>} : memref<256xi32, #tpu.memory_space<vmem>>, vector<16xi32>,
    %broadcast_in_dim3A_226 = arith.constant 192 : i32
    %broadcast_in_dim3A_227 = vector.broadcast %broadcast_in_dim3A_226 : i32 to vector<16xi32>
    %add3A_228 = arith.addi %broadcast_in_dim3A_227, %iota3A_131 : vector<16xi32>
    %mul3A_229 = arith.constant 128 : i32
    %mul3A_230 = vector.broadcast %mul3A_229 : i32 to vector<16xi32>
    %mul3A_231 = arith.muli %add3A_228, %mul3A_230 : vector<16xi32>
    %swap3A_232 = arith.constant 192 : index
    %swap3A_233 = tpu.vector_load %arg11[%swap3A_232] {strides = array<i32>} : memref<256xi32, #tpu.memory_space<vmem>>, vector<16xi32>,
    tpu.vector_store %arg11[%swap3A_232], %mul3A_231 {strides = array<i32>} : memref<256xi32, #tpu.memory_space<vmem>>, vector<16xi32>,
    %broadcast_in_dim3A_234 = arith.constant 208 : i32
    %broadcast_in_dim3A_235 = vector.broadcast %broadcast_in_dim3A_234 : i32 to vector<16xi32>
    %add3A_236 = arith.addi %broadcast_in_dim3A_235, %iota3A_131 : vector<16xi32>
    %mul3A_237 = arith.constant 128 : i32
    %mul3A_238 = vector.broadcast %mul3A_237 : i32 to vector<16xi32>
    %mul3A_239 = arith.muli %add3A_236, %mul3A_238 : vector<16xi32>
    %swap3A_240 = arith.constant 208 : index
    %swap3A_241 = tpu.vector_load %arg11[%swap3A_240] {strides = array<i32>} : memref<256xi32, #tpu.memory_space<vmem>>, vector<16xi32>,
    tpu.vector_store %arg11[%swap3A_240], %mul3A_239 {strides = array<i32>} : memref<256xi32, #tpu.memory_space<vmem>>, vector<16xi32>,
    %broadcast_in_dim3A_242 = arith.constant 224 : i32
    %broadcast_in_dim3A_243 = vector.broadcast %broadcast_in_dim3A_242 : i32 to vector<16xi32>
    %add3A_244 = arith.addi %broadcast_in_dim3A_243, %iota3A_131 : vector<16xi32>
    %mul3A_245 = arith.constant 128 : i32
    %mul3A_246 = vector.broadcast %mul3A_245 : i32 to vector<16xi32>
    %mul3A_247 = arith.muli %add3A_244, %mul3A_246 : vector<16xi32>
    %swap3A_248 = arith.constant 224 : index
    %swap3A_249 = tpu.vector_load %arg11[%swap3A_248] {strides = array<i32>} : memref<256xi32, #tpu.memory_space<vmem>>, vector<16xi32>,
    tpu.vector_store %arg11[%swap3A_248], %mul3A_247 {strides = array<i32>} : memref<256xi32, #tpu.memory_space<vmem>>, vector<16xi32>,
    %broadcast_in_dim3A_250 = arith.constant 240 : i32
    %broadcast_in_dim3A_251 = vector.broadcast %broadcast_in_dim3A_250 : i32 to vector<16xi32>
    %add3A_252 = arith.addi %broadcast_in_dim3A_251, %iota3A_131 : vector<16xi32>
    %mul3A_253 = arith.constant 128 : i32
    %mul3A_254 = vector.broadcast %mul3A_253 : i32 to vector<16xi32>
    %mul3A_255 = arith.muli %add3A_252, %mul3A_254 : vector<16xi32>
    %swap3A_256 = arith.constant 240 : index
    %swap3A_257 = tpu.vector_load %arg11[%swap3A_256] {strides = array<i32>} : memref<256xi32, #tpu.memory_space<vmem>>, vector<16xi32>,
    tpu.vector_store %arg11[%swap3A_256], %mul3A_255 {strides = array<i32>} : memref<256xi32, #tpu.memory_space<vmem>>, vector<16xi32>,
    %broadcast_in_dim3A_258 = arith.constant 0 : i32
    %broadcast_in_dim3A_259 = vector.broadcast %broadcast_in_dim3A_258 : i32 to vector<16xi32>
    %add3A_260 = arith.addi %broadcast_in_dim3A_259, %iota3A_131 : vector<16xi32>
    %mul3A_261 = arith.constant 2 : i32
    %mul3A_262 = vector.broadcast %mul3A_261 : i32 to vector<16xi32>
    %mul3A_263 = arith.muli %add3A_260, %mul3A_262 : vector<16xi32>
    %swap3A_264 = arith.constant 0 : index
    %swap3A_265 = tpu.vector_load %arg13[%swap3A_264] {strides = array<i32>} : memref<128xi32, #tpu.memory_space<vmem>>, vector<16xi32>,
    tpu.vector_store %arg13[%swap3A_264], %mul3A_263 {strides = array<i32>} : memref<128xi32, #tpu.memory_space<vmem>>, vector<16xi32>,
    %broadcast_in_dim3A_266 = arith.constant 16 : i32
    %broadcast_in_dim3A_267 = vector.broadcast %broadcast_in_dim3A_266 : i32 to vector<16xi32>
    %add3A_268 = arith.addi %broadcast_in_dim3A_267, %iota3A_131 : vector<16xi32>
    %mul3A_269 = arith.constant 2 : i32
    %mul3A_270 = vector.broadcast %mul3A_269 : i32 to vector<16xi32>
    %mul3A_271 = arith.muli %add3A_268, %mul3A_270 : vector<16xi32>
    %swap3A_272 = arith.constant 16 : index
    %swap3A_273 = tpu.vector_load %arg13[%swap3A_272] {strides = array<i32>} : memref<128xi32, #tpu.memory_space<vmem>>, vector<16xi32>,
    tpu.vector_store %arg13[%swap3A_272], %mul3A_271 {strides = array<i32>} : memref<128xi32, #tpu.memory_space<vmem>>, vector<16xi32>,
    %broadcast_in_dim3A_274 = arith.constant 32 : i32
    %broadcast_in_dim3A_275 = vector.broadcast %broadcast_in_dim3A_274 : i32 to vector<16xi32>
    %add3A_276 = arith.addi %broadcast_in_dim3A_275, %iota3A_131 : vector<16xi32>
    %mul3A_277 = arith.constant 2 : i32
    %mul3A_278 = vector.broadcast %mul3A_277 : i32 to vector<16xi32>
    %mul3A_279 = arith.muli %add3A_276, %mul3A_278 : vector<16xi32>
    %swap3A_280 = arith.constant 32 : index
    %swap3A_281 = tpu.vector_load %arg13[%swap3A_280] {strides = array<i32>} : memref<128xi32, #tpu.memory_space<vmem>>, vector<16xi32>,
    tpu.vector_store %arg13[%swap3A_280], %mul3A_279 {strides = array<i32>} : memref<128xi32, #tpu.memory_space<vmem>>, vector<16xi32>,
    %broadcast_in_dim3A_282 = arith.constant 48 : i32
    %broadcast_in_dim3A_283 = vector.broadcast %broadcast_in_dim3A_282 : i32 to vector<16xi32>
    %add3A_284 = arith.addi %broadcast_in_dim3A_283, %iota3A_131 : vector<16xi32>
    %mul3A_285 = arith.constant 2 : i32
    %mul3A_286 = vector.broadcast %mul3A_285 : i32 to vector<16xi32>
    %mul3A_287 = arith.muli %add3A_284, %mul3A_286 : vector<16xi32>
    %swap3A_288 = arith.constant 48 : index
    %swap3A_289 = tpu.vector_load %arg13[%swap3A_288] {strides = array<i32>} : memref<128xi32, #tpu.memory_space<vmem>>, vector<16xi32>,
    tpu.vector_store %arg13[%swap3A_288], %mul3A_287 {strides = array<i32>} : memref<128xi32, #tpu.memory_space<vmem>>, vector<16xi32>,
    %broadcast_in_dim3A_290 = arith.constant 64 : i32
    %broadcast_in_dim3A_291 = vector.broadcast %broadcast_in_dim3A_290 : i32 to vector<16xi32>
    %add3A_292 = arith.addi %broadcast_in_dim3A_291, %iota3A_131 : vector<16xi32>
    %mul3A_293 = arith.constant 2 : i32
    %mul3A_294 = vector.broadcast %mul3A_293 : i32 to vector<16xi32>
    %mul3A_295 = arith.muli %add3A_292, %mul3A_294 : vector<16xi32>
    %swap3A_296 = arith.constant 64 : index
    %swap3A_297 = tpu.vector_load %arg13[%swap3A_296] {strides = array<i32>} : memref<128xi32, #tpu.memory_space<vmem>>, vector<16xi32>,
    tpu.vector_store %arg13[%swap3A_296], %mul3A_295 {strides = array<i32>} : memref<128xi32, #tpu.memory_space<vmem>>, vector<16xi32>,
    %broadcast_in_dim3A_298 = arith.constant 80 : i32
    %broadcast_in_dim3A_299 = vector.broadcast %broadcast_in_dim3A_298 : i32 to vector<16xi32>
    %add3A_300 = arith.addi %broadcast_in_dim3A_299, %iota3A_131 : vector<16xi32>
    %mul3A_301 = arith.constant 2 : i32
    %mul3A_302 = vector.broadcast %mul3A_301 : i32 to vector<16xi32>
    %mul3A_303 = arith.muli %add3A_300, %mul3A_302 : vector<16xi32>
    %swap3A_304 = arith.constant 80 : index
    %swap3A_305 = tpu.vector_load %arg13[%swap3A_304] {strides = array<i32>} : memref<128xi32, #tpu.memory_space<vmem>>, vector<16xi32>,
    tpu.vector_store %arg13[%swap3A_304], %mul3A_303 {strides = array<i32>} : memref<128xi32, #tpu.memory_space<vmem>>, vector<16xi32>,
    %broadcast_in_dim3A_306 = arith.constant 96 : i32
    %broadcast_in_dim3A_307 = vector.broadcast %broadcast_in_dim3A_306 : i32 to vector<16xi32>
    %add3A_308 = arith.addi %broadcast_in_dim3A_307, %iota3A_131 : vector<16xi32>
    %mul3A_309 = arith.constant 2 : i32
    %mul3A_310 = vector.broadcast %mul3A_309 : i32 to vector<16xi32>
    %mul3A_311 = arith.muli %add3A_308, %mul3A_310 : vector<16xi32>
    %swap3A_312 = arith.constant 96 : index
    %swap3A_313 = tpu.vector_load %arg13[%swap3A_312] {strides = array<i32>} : memref<128xi32, #tpu.memory_space<vmem>>, vector<16xi32>,
    tpu.vector_store %arg13[%swap3A_312], %mul3A_311 {strides = array<i32>} : memref<128xi32, #tpu.memory_space<vmem>>, vector<16xi32>,
    %broadcast_in_dim3A_314 = arith.constant 112 : i32
    %broadcast_in_dim3A_315 = vector.broadcast %broadcast_in_dim3A_314 : i32 to vector<16xi32>
    %add3A_316 = arith.addi %broadcast_in_dim3A_315, %iota3A_131 : vector<16xi32>
    %mul3A_317 = arith.constant 2 : i32
    %mul3A_318 = vector.broadcast %mul3A_317 : i32 to vector<16xi32>
    %mul3A_319 = arith.muli %add3A_316, %mul3A_318 : vector<16xi32>
    %swap3A_320 = arith.constant 112 : index
    %swap3A_321 = tpu.vector_load %arg13[%swap3A_320] {strides = array<i32>} : memref<128xi32, #tpu.memory_space<vmem>>, vector<16xi32>,
    tpu.vector_store %arg13[%swap3A_320], %mul3A_319 {strides = array<i32>} : memref<128xi32, #tpu.memory_space<vmem>>, vector<16xi32>,
    %mul3A_322 = arith.constant 2 : i32
    %mul3A_323 = arith.muli %select_n3A, %mul3A_322 : i32
    %add3A_324 = arith.constant 0 : i32
    %add3A_325 = arith.addi %mul3A_323, %add3A_324 : i32
    %mul3A_326 = arith.constant 256 : i32
    %mul3A_327 = arith.muli %add3A_325, %mul3A_326 : i32
    %mul3A_328 = arith.constant 128 : i32
    %mul3A_329 = arith.muli %mul3A_327, %mul3A_328 : i32
    %add3A_330 = arith.constant 0 : i32
    %add3A_331 = arith.addi %select_n3A_34, %add3A_330 : i32
    %jit3A_332 = arith.constant 128 : i32
    %div3A_333 = arith.divsi %add3A_331, %jit3A_332 : i32
    %sign3A_334 = arith.constant 0 : i32
    %sign3A_335 = arith.cmpi sgt, %add3A_331, %sign3A_334 : i32
    %sign3A_336 = arith.extui %sign3A_335 : i1 to i32
    %sign3A_337 = arith.constant 0 : i32
    %sign3A_338 = arith.cmpi slt, %add3A_331, %sign3A_337 : i32
    %sign3A_339 = arith.extui %sign3A_338 : i1 to i32
    %sign3A_340 = arith.subi %sign3A_336, %sign3A_339 : i32
    %sign3A_341 = arith.constant 0 : i32
    %sign3A_342 = arith.cmpi sgt, %jit3A_332, %sign3A_341 : i32
    %sign3A_343 = arith.extui %sign3A_342 : i1 to i32
    %sign3A_344 = arith.constant 0 : i32
    %sign3A_345 = arith.cmpi slt, %jit3A_332, %sign3A_344 : i32
    %sign3A_346 = arith.extui %sign3A_345 : i1 to i32
    %sign3A_347 = arith.subi %sign3A_343, %sign3A_346 : i32
    %ne3A_348 = arith.cmpi ne, %sign3A_340, %sign3A_347 : i32
    %rem3A_349 = arith.remsi %add3A_331, %jit3A_332 : i32
    %ne3A_350 = arith.constant 0 : i32
    %ne3A_351 = arith.cmpi ne, %rem3A_349, %ne3A_350 : i32
    %and3A_352 = arith.andi %ne3A_348, %ne3A_351 : i1
    %sub3A_353 = arith.constant 1 : i32
    %sub3A_354 = arith.subi %div3A_333, %sub3A_353 : i32
    %select_n3A_355 = arith.select %and3A_352, %sub3A_354, %div3A_333 : i32
    %add3A_356 = arith.addi %mul3A_329, %select_n3A_355 : i32
    %broadcast_in_dim3A_357 = vector.broadcast %add3A_356 : i32 to vector<16xi32>
    %get3A_358 = arith.constant 0 : index
    %get3A_359 = tpu.vector_load %arg11[%get3A_358] {strides = array<i32>} : memref<256xi32, #tpu.memory_space<vmem>>, vector<16xi32>,
    %add3A_360 = arith.addi %get3A_359, %broadcast_in_dim3A_357 : vector<16xi32>
    %swap3A_361 = arith.constant 0 : index
    %swap3A_362 = tpu.vector_load %arg9[%swap3A_361] {strides = array<i32>} : memref<256xi32, #tpu.memory_space<vmem>>, vector<16xi32>,
    tpu.vector_store %arg9[%swap3A_361], %add3A_360 {strides = array<i32>} : memref<256xi32, #tpu.memory_space<vmem>>, vector<16xi32>,
    %get3A_363 = arith.constant 16 : index
    %get3A_364 = tpu.vector_load %arg11[%get3A_363] {strides = array<i32>} : memref<256xi32, #tpu.memory_space<vmem>>, vector<16xi32>,
    %add3A_365 = arith.addi %get3A_364, %broadcast_in_dim3A_357 : vector<16xi32>
    %swap3A_366 = arith.constant 16 : index
    %swap3A_367 = tpu.vector_load %arg9[%swap3A_366] {strides = array<i32>} : memref<256xi32, #tpu.memory_space<vmem>>, vector<16xi32>,
    tpu.vector_store %arg9[%swap3A_366], %add3A_365 {strides = array<i32>} : memref<256xi32, #tpu.memory_space<vmem>>, vector<16xi32>,
    %get3A_368 = arith.constant 32 : index
    %get3A_369 = tpu.vector_load %arg11[%get3A_368] {strides = array<i32>} : memref<256xi32, #tpu.memory_space<vmem>>, vector<16xi32>,
    %add3A_370 = arith.addi %get3A_369, %broadcast_in_dim3A_357 : vector<16xi32>
    %swap3A_371 = arith.constant 32 : index
    %swap3A_372 = tpu.vector_load %arg9[%swap3A_371] {strides = array<i32>} : memref<256xi32, #tpu.memory_space<vmem>>, vector<16xi32>,
    tpu.vector_store %arg9[%swap3A_371], %add3A_370 {strides = array<i32>} : memref<256xi32, #tpu.memory_space<vmem>>, vector<16xi32>,
    %get3A_373 = arith.constant 48 : index
    %get3A_374 = tpu.vector_load %arg11[%get3A_373] {strides = array<i32>} : memref<256xi32, #tpu.memory_space<vmem>>, vector<16xi32>,
    %add3A_375 = arith.addi %get3A_374, %broadcast_in_dim3A_357 : vector<16xi32>
    %swap3A_376 = arith.constant 48 : index
    %swap3A_377 = tpu.vector_load %arg9[%swap3A_376] {strides = array<i32>} : memref<256xi32, #tpu.memory_space<vmem>>, vector<16xi32>,
    tpu.vector_store %arg9[%swap3A_376], %add3A_375 {strides = array<i32>} : memref<256xi32, #tpu.memory_space<vmem>>, vector<16xi32>,
    %get3A_378 = arith.constant 64 : index
    %get3A_379 = tpu.vector_load %arg11[%get3A_378] {strides = array<i32>} : memref<256xi32, #tpu.memory_space<vmem>>, vector<16xi32>,
    %add3A_380 = arith.addi %get3A_379, %broadcast_in_dim3A_357 : vector<16xi32>
    %swap3A_381 = arith.constant 64 : index
    %swap3A_382 = tpu.vector_load %arg9[%swap3A_381] {strides = array<i32>} : memref<256xi32, #tpu.memory_space<vmem>>, vector<16xi32>,
    tpu.vector_store %arg9[%swap3A_381], %add3A_380 {strides = array<i32>} : memref<256xi32, #tpu.memory_space<vmem>>, vector<16xi32>,
    %get3A_383 = arith.constant 80 : index
    %get3A_384 = tpu.vector_load %arg11[%get3A_383] {strides = array<i32>} : memref<256xi32, #tpu.memory_space<vmem>>, vector<16xi32>,
    %add3A_385 = arith.addi %get3A_384, %broadcast_in_dim3A_357 : vector<16xi32>
    %swap3A_386 = arith.constant 80 : index
    %swap3A_387 = tpu.vector_load %arg9[%swap3A_386] {strides = array<i32>} : memref<256xi32, #tpu.memory_space<vmem>>, vector<16xi32>,
    tpu.vector_store %arg9[%swap3A_386], %add3A_385 {strides = array<i32>} : memref<256xi32, #tpu.memory_space<vmem>>, vector<16xi32>,
    %get3A_388 = arith.constant 96 : index
    %get3A_389 = tpu.vector_load %arg11[%get3A_388] {strides = array<i32>} : memref<256xi32, #tpu.memory_space<vmem>>, vector<16xi32>,
    %add3A_390 = arith.addi %get3A_389, %broadcast_in_dim3A_357 : vector<16xi32>
    %swap3A_391 = arith.constant 96 : index
    %swap3A_392 = tpu.vector_load %arg9[%swap3A_391] {strides = array<i32>} : memref<256xi32, #tpu.memory_space<vmem>>, vector<16xi32>,
    tpu.vector_store %arg9[%swap3A_391], %add3A_390 {strides = array<i32>} : memref<256xi32, #tpu.memory_space<vmem>>, vector<16xi32>,
    %get3A_393 = arith.constant 112 : index
    %get3A_394 = tpu.vector_load %arg11[%get3A_393] {strides = array<i32>} : memref<256xi32, #tpu.memory_space<vmem>>, vector<16xi32>,
    %add3A_395 = arith.addi %get3A_394, %broadcast_in_dim3A_357 : vector<16xi32>
    %swap3A_396 = arith.constant 112 : index
    %swap3A_397 = tpu.vector_load %arg9[%swap3A_396] {strides = array<i32>} : memref<256xi32, #tpu.memory_space<vmem>>, vector<16xi32>,
    tpu.vector_store %arg9[%swap3A_396], %add3A_395 {strides = array<i32>} : memref<256xi32, #tpu.memory_space<vmem>>, vector<16xi32>,
    %get3A_398 = arith.constant 128 : index
    %get3A_399 = tpu.vector_load %arg11[%get3A_398] {strides = array<i32>} : memref<256xi32, #tpu.memory_space<vmem>>, vector<16xi32>,
    %add3A_400 = arith.addi %get3A_399, %broadcast_in_dim3A_357 : vector<16xi32>
    %swap3A_401 = arith.constant 128 : index
    %swap3A_402 = tpu.vector_load %arg9[%swap3A_401] {strides = array<i32>} : memref<256xi32, #tpu.memory_space<vmem>>, vector<16xi32>,
    tpu.vector_store %arg9[%swap3A_401], %add3A_400 {strides = array<i32>} : memref<256xi32, #tpu.memory_space<vmem>>, vector<16xi32>,
    %get3A_403 = arith.constant 144 : index
    %get3A_404 = tpu.vector_load %arg11[%get3A_403] {strides = array<i32>} : memref<256xi32, #tpu.memory_space<vmem>>, vector<16xi32>,
    %add3A_405 = arith.addi %get3A_404, %broadcast_in_dim3A_357 : vector<16xi32>
    %swap3A_406 = arith.constant 144 : index
    %swap3A_407 = tpu.vector_load %arg9[%swap3A_406] {strides = array<i32>} : memref<256xi32, #tpu.memory_space<vmem>>, vector<16xi32>,
    tpu.vector_store %arg9[%swap3A_406], %add3A_405 {strides = array<i32>} : memref<256xi32, #tpu.memory_space<vmem>>, vector<16xi32>,
    %get3A_408 = arith.constant 160 : index
    %get3A_409 = tpu.vector_load %arg11[%get3A_408] {strides = array<i32>} : memref<256xi32, #tpu.memory_space<vmem>>, vector<16xi32>,
    %add3A_410 = arith.addi %get3A_409, %broadcast_in_dim3A_357 : vector<16xi32>
    %swap3A_411 = arith.constant 160 : index
    %swap3A_412 = tpu.vector_load %arg9[%swap3A_411] {strides = array<i32>} : memref<256xi32, #tpu.memory_space<vmem>>, vector<16xi32>,
    tpu.vector_store %arg9[%swap3A_411], %add3A_410 {strides = array<i32>} : memref<256xi32, #tpu.memory_space<vmem>>, vector<16xi32>,
    %get3A_413 = arith.constant 176 : index
    %get3A_414 = tpu.vector_load %arg11[%get3A_413] {strides = array<i32>} : memref<256xi32, #tpu.memory_space<vmem>>, vector<16xi32>,
    %add3A_415 = arith.addi %get3A_414, %broadcast_in_dim3A_357 : vector<16xi32>
    %swap3A_416 = arith.constant 176 : index
    %swap3A_417 = tpu.vector_load %arg9[%swap3A_416] {strides = array<i32>} : memref<256xi32, #tpu.memory_space<vmem>>, vector<16xi32>,
    tpu.vector_store %arg9[%swap3A_416], %add3A_415 {strides = array<i32>} : memref<256xi32, #tpu.memory_space<vmem>>, vector<16xi32>,
    %get3A_418 = arith.constant 192 : index
    %get3A_419 = tpu.vector_load %arg11[%get3A_418] {strides = array<i32>} : memref<256xi32, #tpu.memory_space<vmem>>, vector<16xi32>,
    %add3A_420 = arith.addi %get3A_419, %broadcast_in_dim3A_357 : vector<16xi32>
    %swap3A_421 = arith.constant 192 : index
    %swap3A_422 = tpu.vector_load %arg9[%swap3A_421] {strides = array<i32>} : memref<256xi32, #tpu.memory_space<vmem>>, vector<16xi32>,
    tpu.vector_store %arg9[%swap3A_421], %add3A_420 {strides = array<i32>} : memref<256xi32, #tpu.memory_space<vmem>>, vector<16xi32>,
    %get3A_423 = arith.constant 208 : index
    %get3A_424 = tpu.vector_load %arg11[%get3A_423] {strides = array<i32>} : memref<256xi32, #tpu.memory_space<vmem>>, vector<16xi32>,
    %add3A_425 = arith.addi %get3A_424, %broadcast_in_dim3A_357 : vector<16xi32>
    %swap3A_426 = arith.constant 208 : index
    %swap3A_427 = tpu.vector_load %arg9[%swap3A_426] {strides = array<i32>} : memref<256xi32, #tpu.memory_space<vmem>>, vector<16xi32>,
    tpu.vector_store %arg9[%swap3A_426], %add3A_425 {strides = array<i32>} : memref<256xi32, #tpu.memory_space<vmem>>, vector<16xi32>,
    %get3A_428 = arith.constant 224 : index
    %get3A_429 = tpu.vector_load %arg11[%get3A_428] {strides = array<i32>} : memref<256xi32, #tpu.memory_space<vmem>>, vector<16xi32>,
    %add3A_430 = arith.addi %get3A_429, %broadcast_in_dim3A_357 : vector<16xi32>
    %swap3A_431 = arith.constant 224 : index
    %swap3A_432 = tpu.vector_load %arg9[%swap3A_431] {strides = array<i32>} : memref<256xi32, #tpu.memory_space<vmem>>, vector<16xi32>,
    tpu.vector_store %arg9[%swap3A_431], %add3A_430 {strides = array<i32>} : memref<256xi32, #tpu.memory_space<vmem>>, vector<16xi32>,
    %get3A_433 = arith.constant 240 : index
    %get3A_434 = tpu.vector_load %arg11[%get3A_433] {strides = array<i32>} : memref<256xi32, #tpu.memory_space<vmem>>, vector<16xi32>,
    %add3A_435 = arith.addi %get3A_434, %broadcast_in_dim3A_357 : vector<16xi32>
    %swap3A_436 = arith.constant 240 : index
    %swap3A_437 = tpu.vector_load %arg9[%swap3A_436] {strides = array<i32>} : memref<256xi32, #tpu.memory_space<vmem>>, vector<16xi32>,
    tpu.vector_store %arg9[%swap3A_436], %add3A_435 {strides = array<i32>} : memref<256xi32, #tpu.memory_space<vmem>>, vector<16xi32>,
    %dma_start3A = arith.constant 0 : i32
    %dma_start3A_438 = arith.constant 0 : i32
    %dma_start3A_439 = tpu.memref_slice %arg2[%dma_start3A, %dma_start3A_438] : memref<262144x128xf32, #tpu.memory_space<hbm>> -> memref<262144x128xf32, #tpu.memory_space<hbm>>
    tpu.enqueue_indirect_dma source(%dma_start3A_439 : memref<262144x128xf32, #tpu.memory_space<hbm>>) target(%arg5 : memref<256x128xf32, #tpu.memory_space<vmem>>) offsets(%arg9 : memref<256xi32, #tpu.memory_space<vmem>>) semaphore(%arg14 : memref<!tpu.dma_semaphore, #tpu.memory_space<semaphore_mem>>)
    %mul3A_440 = arith.constant 2 : i32
    %mul3A_441 = arith.muli %select_n3A, %mul3A_440 : i32
    %add3A_442 = arith.constant 1 : i32
    %add3A_443 = arith.addi %mul3A_441, %add3A_442 : i32
    %mul3A_444 = arith.constant 256 : i32
    %mul3A_445 = arith.muli %add3A_443, %mul3A_444 : i32
    %mul3A_446 = arith.constant 128 : i32
    %mul3A_447 = arith.muli %mul3A_445, %mul3A_446 : i32
    %add3A_448 = arith.constant 0 : i32
    %add3A_449 = arith.addi %select_n3A_34, %add3A_448 : i32
    %jit3A_450 = arith.constant 128 : i32
    %div3A_451 = arith.divsi %add3A_449, %jit3A_450 : i32
    %sign3A_452 = arith.constant 0 : i32
    %sign3A_453 = arith.cmpi sgt, %add3A_449, %sign3A_452 : i32
    %sign3A_454 = arith.extui %sign3A_453 : i1 to i32
    %sign3A_455 = arith.constant 0 : i32
    %sign3A_456 = arith.cmpi slt, %add3A_449, %sign3A_455 : i32
    %sign3A_457 = arith.extui %sign3A_456 : i1 to i32
    %sign3A_458 = arith.subi %sign3A_454, %sign3A_457 : i32
    %sign3A_459 = arith.constant 0 : i32
    %sign3A_460 = arith.cmpi sgt, %jit3A_450, %sign3A_459 : i32
    %sign3A_461 = arith.extui %sign3A_460 : i1 to i32
    %sign3A_462 = arith.constant 0 : i32
    %sign3A_463 = arith.cmpi slt, %jit3A_450, %sign3A_462 : i32
    %sign3A_464 = arith.extui %sign3A_463 : i1 to i32
    %sign3A_465 = arith.subi %sign3A_461, %sign3A_464 : i32
    %ne3A_466 = arith.cmpi ne, %sign3A_458, %sign3A_465 : i32
    %rem3A_467 = arith.remsi %add3A_449, %jit3A_450 : i32
    %ne3A_468 = arith.constant 0 : i32
    %ne3A_469 = arith.cmpi ne, %rem3A_467, %ne3A_468 : i32
    %and3A_470 = arith.andi %ne3A_466, %ne3A_469 : i1
    %sub3A_471 = arith.constant 1 : i32
    %sub3A_472 = arith.subi %div3A_451, %sub3A_471 : i32
    %select_n3A_473 = arith.select %and3A_470, %sub3A_472, %div3A_451 : i32
    %add3A_474 = arith.addi %mul3A_447, %select_n3A_473 : i32
    %broadcast_in_dim3A_475 = vector.broadcast %add3A_474 : i32 to vector<16xi32>
    %get3A_476 = arith.constant 0 : index
    %get3A_477 = tpu.vector_load %arg11[%get3A_476] {strides = array<i32>} : memref<256xi32, #tpu.memory_space<vmem>>, vector<16xi32>,
    %add3A_478 = arith.addi %get3A_477, %broadcast_in_dim3A_475 : vector<16xi32>
    %swap3A_479 = arith.constant 0 : index
    %swap3A_480 = tpu.vector_load %arg10[%swap3A_479] {strides = array<i32>} : memref<256xi32, #tpu.memory_space<vmem>>, vector<16xi32>,
    tpu.vector_store %arg10[%swap3A_479], %add3A_478 {strides = array<i32>} : memref<256xi32, #tpu.memory_space<vmem>>, vector<16xi32>,
    %get3A_481 = arith.constant 16 : index
    %get3A_482 = tpu.vector_load %arg11[%get3A_481] {strides = array<i32>} : memref<256xi32, #tpu.memory_space<vmem>>, vector<16xi32>,
    %add3A_483 = arith.addi %get3A_482, %broadcast_in_dim3A_475 : vector<16xi32>
    %swap3A_484 = arith.constant 16 : index
    %swap3A_485 = tpu.vector_load %arg10[%swap3A_484] {strides = array<i32>} : memref<256xi32, #tpu.memory_space<vmem>>, vector<16xi32>,
    tpu.vector_store %arg10[%swap3A_484], %add3A_483 {strides = array<i32>} : memref<256xi32, #tpu.memory_space<vmem>>, vector<16xi32>,
    %get3A_486 = arith.constant 32 : index
    %get3A_487 = tpu.vector_load %arg11[%get3A_486] {strides = array<i32>} : memref<256xi32, #tpu.memory_space<vmem>>, vector<16xi32>,
    %add3A_488 = arith.addi %get3A_487, %broadcast_in_dim3A_475 : vector<16xi32>
    %swap3A_489 = arith.constant 32 : index
    %swap3A_490 = tpu.vector_load %arg10[%swap3A_489] {strides = array<i32>} : memref<256xi32, #tpu.memory_space<vmem>>, vector<16xi32>,
    tpu.vector_store %arg10[%swap3A_489], %add3A_488 {strides = array<i32>} : memref<256xi32, #tpu.memory_space<vmem>>, vector<16xi32>,
    %get3A_491 = arith.constant 48 : index
    %get3A_492 = tpu.vector_load %arg11[%get3A_491] {strides = array<i32>} : memref<256xi32, #tpu.memory_space<vmem>>, vector<16xi32>,
    %add3A_493 = arith.addi %get3A_492, %broadcast_in_dim3A_475 : vector<16xi32>
    %swap3A_494 = arith.constant 48 : index
    %swap3A_495 = tpu.vector_load %arg10[%swap3A_494] {strides = array<i32>} : memref<256xi32, #tpu.memory_space<vmem>>, vector<16xi32>,
    tpu.vector_store %arg10[%swap3A_494], %add3A_493 {strides = array<i32>} : memref<256xi32, #tpu.memory_space<vmem>>, vector<16xi32>,
    %get3A_496 = arith.constant 64 : index
    %get3A_497 = tpu.vector_load %arg11[%get3A_496] {strides = array<i32>} : memref<256xi32, #tpu.memory_space<vmem>>, vector<16xi32>,
    %add3A_498 = arith.addi %get3A_497, %broadcast_in_dim3A_475 : vector<16xi32>
    %swap3A_499 = arith.constant 64 : index
    %swap3A_500 = tpu.vector_load %arg10[%swap3A_499] {strides = array<i32>} : memref<256xi32, #tpu.memory_space<vmem>>, vector<16xi32>,
    tpu.vector_store %arg10[%swap3A_499], %add3A_498 {strides = array<i32>} : memref<256xi32, #tpu.memory_space<vmem>>, vector<16xi32>,
    %get3A_501 = arith.constant 80 : index
    %get3A_502 = tpu.vector_load %arg11[%get3A_501] {strides = array<i32>} : memref<256xi32, #tpu.memory_space<vmem>>, vector<16xi32>,
    %add3A_503 = arith.addi %get3A_502, %broadcast_in_dim3A_475 : vector<16xi32>
    %swap3A_504 = arith.constant 80 : index
    %swap3A_505 = tpu.vector_load %arg10[%swap3A_504] {strides = array<i32>} : memref<256xi32, #tpu.memory_space<vmem>>, vector<16xi32>,
    tpu.vector_store %arg10[%swap3A_504], %add3A_503 {strides = array<i32>} : memref<256xi32, #tpu.memory_space<vmem>>, vector<16xi32>,
    %get3A_506 = arith.constant 96 : index
    %get3A_507 = tpu.vector_load %arg11[%get3A_506] {strides = array<i32>} : memref<256xi32, #tpu.memory_space<vmem>>, vector<16xi32>,
    %add3A_508 = arith.addi %get3A_507, %broadcast_in_dim3A_475 : vector<16xi32>
    %swap3A_509 = arith.constant 96 : index
    %swap3A_510 = tpu.vector_load %arg10[%swap3A_509] {strides = array<i32>} : memref<256xi32, #tpu.memory_space<vmem>>, vector<16xi32>,
    tpu.vector_store %arg10[%swap3A_509], %add3A_508 {strides = array<i32>} : memref<256xi32, #tpu.memory_space<vmem>>, vector<16xi32>,
    %get3A_511 = arith.constant 112 : index
    %get3A_512 = tpu.vector_load %arg11[%get3A_511] {strides = array<i32>} : memref<256xi32, #tpu.memory_space<vmem>>, vector<16xi32>,
    %add3A_513 = arith.addi %get3A_512, %broadcast_in_dim3A_475 : vector<16xi32>
    %swap3A_514 = arith.constant 112 : index
    %swap3A_515 = tpu.vector_load %arg10[%swap3A_514] {strides = array<i32>} : memref<256xi32, #tpu.memory_space<vmem>>, vector<16xi32>,
    tpu.vector_store %arg10[%swap3A_514], %add3A_513 {strides = array<i32>} : memref<256xi32, #tpu.memory_space<vmem>>, vector<16xi32>,
    %get3A_516 = arith.constant 128 : index
    %get3A_517 = tpu.vector_load %arg11[%get3A_516] {strides = array<i32>} : memref<256xi32, #tpu.memory_space<vmem>>, vector<16xi32>,
    %add3A_518 = arith.addi %get3A_517, %broadcast_in_dim3A_475 : vector<16xi32>
    %swap3A_519 = arith.constant 128 : index
    %swap3A_520 = tpu.vector_load %arg10[%swap3A_519] {strides = array<i32>} : memref<256xi32, #tpu.memory_space<vmem>>, vector<16xi32>,
    tpu.vector_store %arg10[%swap3A_519], %add3A_518 {strides = array<i32>} : memref<256xi32, #tpu.memory_space<vmem>>, vector<16xi32>,
    %get3A_521 = arith.constant 144 : index
    %get3A_522 = tpu.vector_load %arg11[%get3A_521] {strides = array<i32>} : memref<256xi32, #tpu.memory_space<vmem>>, vector<16xi32>,
    %add3A_523 = arith.addi %get3A_522, %broadcast_in_dim3A_475 : vector<16xi32>
    %swap3A_524 = arith.constant 144 : index
    %swap3A_525 = tpu.vector_load %arg10[%swap3A_524] {strides = array<i32>} : memref<256xi32, #tpu.memory_space<vmem>>, vector<16xi32>,
    tpu.vector_store %arg10[%swap3A_524], %add3A_523 {strides = array<i32>} : memref<256xi32, #tpu.memory_space<vmem>>, vector<16xi32>,
    %get3A_526 = arith.constant 160 : index
    %get3A_527 = tpu.vector_load %arg11[%get3A_526] {strides = array<i32>} : memref<256xi32, #tpu.memory_space<vmem>>, vector<16xi32>,
    %add3A_528 = arith.addi %get3A_527, %broadcast_in_dim3A_475 : vector<16xi32>
    %swap3A_529 = arith.constant 160 : index
    %swap3A_530 = tpu.vector_load %arg10[%swap3A_529] {strides = array<i32>} : memref<256xi32, #tpu.memory_space<vmem>>, vector<16xi32>,
    tpu.vector_store %arg10[%swap3A_529], %add3A_528 {strides = array<i32>} : memref<256xi32, #tpu.memory_space<vmem>>, vector<16xi32>,
    %get3A_531 = arith.constant 176 : index
    %get3A_532 = tpu.vector_load %arg11[%get3A_531] {strides = array<i32>} : memref<256xi32, #tpu.memory_space<vmem>>, vector<16xi32>,
    %add3A_533 = arith.addi %get3A_532, %broadcast_in_dim3A_475 : vector<16xi32>
    %swap3A_534 = arith.constant 176 : index
    %swap3A_535 = tpu.vector_load %arg10[%swap3A_534] {strides = array<i32>} : memref<256xi32, #tpu.memory_space<vmem>>, vector<16xi32>,
    tpu.vector_store %arg10[%swap3A_534], %add3A_533 {strides = array<i32>} : memref<256xi32, #tpu.memory_space<vmem>>, vector<16xi32>,
    %get3A_536 = arith.constant 192 : index
    %get3A_537 = tpu.vector_load %arg11[%get3A_536] {strides = array<i32>} : memref<256xi32, #tpu.memory_space<vmem>>, vector<16xi32>,
    %add3A_538 = arith.addi %get3A_537, %broadcast_in_dim3A_475 : vector<16xi32>
    %swap3A_539 = arith.constant 192 : index
    %swap3A_540 = tpu.vector_load %arg10[%swap3A_539] {strides = array<i32>} : memref<256xi32, #tpu.memory_space<vmem>>, vector<16xi32>,
    tpu.vector_store %arg10[%swap3A_539], %add3A_538 {strides = array<i32>} : memref<256xi32, #tpu.memory_space<vmem>>, vector<16xi32>,
    %get3A_541 = arith.constant 208 : index
    %get3A_542 = tpu.vector_load %arg11[%get3A_541] {strides = array<i32>} : memref<256xi32, #tpu.memory_space<vmem>>, vector<16xi32>,
    %add3A_543 = arith.addi %get3A_542, %broadcast_in_dim3A_475 : vector<16xi32>
    %swap3A_544 = arith.constant 208 : index
    %swap3A_545 = tpu.vector_load %arg10[%swap3A_544] {strides = array<i32>} : memref<256xi32, #tpu.memory_space<vmem>>, vector<16xi32>,
    tpu.vector_store %arg10[%swap3A_544], %add3A_543 {strides = array<i32>} : memref<256xi32, #tpu.memory_space<vmem>>, vector<16xi32>,
    %get3A_546 = arith.constant 224 : index
    %get3A_547 = tpu.vector_load %arg11[%get3A_546] {strides = array<i32>} : memref<256xi32, #tpu.memory_space<vmem>>, vector<16xi32>,
    %add3A_548 = arith.addi %get3A_547, %broadcast_in_dim3A_475 : vector<16xi32>
    %swap3A_549 = arith.constant 224 : index
    %swap3A_550 = tpu.vector_load %arg10[%swap3A_549] {strides = array<i32>} : memref<256xi32, #tpu.memory_space<vmem>>, vector<16xi32>,
    tpu.vector_store %arg10[%swap3A_549], %add3A_548 {strides = array<i32>} : memref<256xi32, #tpu.memory_space<vmem>>, vector<16xi32>,
    %get3A_551 = arith.constant 240 : index
    %get3A_552 = tpu.vector_load %arg11[%get3A_551] {strides = array<i32>} : memref<256xi32, #tpu.memory_space<vmem>>, vector<16xi32>,
    %add3A_553 = arith.addi %get3A_552, %broadcast_in_dim3A_475 : vector<16xi32>
    %swap3A_554 = arith.constant 240 : index
    %swap3A_555 = tpu.vector_load %arg10[%swap3A_554] {strides = array<i32>} : memref<256xi32, #tpu.memory_space<vmem>>, vector<16xi32>,
    tpu.vector_store %arg10[%swap3A_554], %add3A_553 {strides = array<i32>} : memref<256xi32, #tpu.memory_space<vmem>>, vector<16xi32>,
    %dma_start3A_556 = arith.constant 0 : i32
    %dma_start3A_557 = arith.constant 0 : i32
    %dma_start3A_558 = tpu.memref_slice %arg2[%dma_start3A_556, %dma_start3A_557] : memref<262144x128xf32, #tpu.memory_space<hbm>> -> memref<262144x128xf32, #tpu.memory_space<hbm>>
    tpu.enqueue_indirect_dma source(%dma_start3A_558 : memref<262144x128xf32, #tpu.memory_space<hbm>>) target(%arg6 : memref<256x128xf32, #tpu.memory_space<vmem>>) offsets(%arg10 : memref<256xi32, #tpu.memory_space<vmem>>) semaphore(%arg15 : memref<!tpu.dma_semaphore, #tpu.memory_space<semaphore_mem>>)
    %dma_wait3A = arith.constant 0 : i32
    %dma_wait3A_559 = arith.constant 0 : i32
    %dma_wait3A_560 = tpu.memref_slice %arg2[%dma_wait3A, %dma_wait3A_559] : memref<262144x128xf32, #tpu.memory_space<hbm>> -> memref<262144x128xf32, #tpu.memory_space<hbm>>
    tpu.wait_indirect_dma semaphore(%arg14 : memref<!tpu.dma_semaphore, #tpu.memory_space<semaphore_mem>>) src(%dma_wait3A_560 : memref<262144x128xf32, #tpu.memory_space<hbm>>) dst(%arg5 : memref<256x128xf32, #tpu.memory_space<vmem>>)
    %scan3A = arith.constant 0 : i32
    %scan3A_561 = arith.constant 0 : i32
    %scan3A_562 = arith.constant 128 : i32
    %scan3A_563 = arith.addi %scan3A_561, %scan3A_562 : i32
    %scan3A_564 = arith.constant 1 : i32
    %scan3A_565 = scf.for %scan3A_693 = %scan3A_561 to %scan3A_563 step %scan3A_564 iter_args(%scan3A_694 = %scan3A) -> (i32)  : i32 {
      %broadcast_in_dim3A_695 = vector.broadcast %scan3A_693 : i32 to vector<16xi32>
      %gather3A = tpu.vector_load_idx %arg5[%add3A_70, %broadcast_in_dim3A_695] : memref<256x128xf32, #tpu.memory_space<vmem>>[vector<16xi32>, vector<16xi32>], vector<16xf32>,
      %gather3A_696 = tpu.vector_load_idx %arg5[%add3A_74, %broadcast_in_dim3A_695] : memref<256x128xf32, #tpu.memory_space<vmem>>[vector<16xi32>, vector<16xi32>], vector<16xf32>,
      %gather3A_697 = tpu.vector_load_idx %arg5[%add3A_78, %broadcast_in_dim3A_695] : memref<256x128xf32, #tpu.memory_space<vmem>>[vector<16xi32>, vector<16xi32>], vector<16xf32>,
      %gather3A_698 = tpu.vector_load_idx %arg5[%add3A_82, %broadcast_in_dim3A_695] : memref<256x128xf32, #tpu.memory_space<vmem>>[vector<16xi32>, vector<16xi32>], vector<16xf32>,
      %gather3A_699 = tpu.vector_load_idx %arg5[%add3A_86, %broadcast_in_dim3A_695] : memref<256x128xf32, #tpu.memory_space<vmem>>[vector<16xi32>, vector<16xi32>], vector<16xf32>,
      %gather3A_700 = tpu.vector_load_idx %arg5[%add3A_90, %broadcast_in_dim3A_695] : memref<256x128xf32, #tpu.memory_space<vmem>>[vector<16xi32>, vector<16xi32>], vector<16xf32>,
      %gather3A_701 = tpu.vector_load_idx %arg5[%add3A_94, %broadcast_in_dim3A_695] : memref<256x128xf32, #tpu.memory_space<vmem>>[vector<16xi32>, vector<16xi32>], vector<16xf32>,
      %gather3A_702 = tpu.vector_load_idx %arg5[%add3A_98, %broadcast_in_dim3A_695] : memref<256x128xf32, #tpu.memory_space<vmem>>[vector<16xi32>, vector<16xi32>], vector<16xf32>,
      %gather3A_703 = tpu.vector_load_idx %arg5[%add3A_102, %broadcast_in_dim3A_695] : memref<256x128xf32, #tpu.memory_space<vmem>>[vector<16xi32>, vector<16xi32>], vector<16xf32>,
      %gather3A_704 = tpu.vector_load_idx %arg5[%add3A_106, %broadcast_in_dim3A_695] : memref<256x128xf32, #tpu.memory_space<vmem>>[vector<16xi32>, vector<16xi32>], vector<16xf32>,
      %gather3A_705 = tpu.vector_load_idx %arg5[%add3A_110, %broadcast_in_dim3A_695] : memref<256x128xf32, #tpu.memory_space<vmem>>[vector<16xi32>, vector<16xi32>], vector<16xf32>,
      %gather3A_706 = tpu.vector_load_idx %arg5[%add3A_114, %broadcast_in_dim3A_695] : memref<256x128xf32, #tpu.memory_space<vmem>>[vector<16xi32>, vector<16xi32>], vector<16xf32>,
      %gather3A_707 = tpu.vector_load_idx %arg5[%add3A_118, %broadcast_in_dim3A_695] : memref<256x128xf32, #tpu.memory_space<vmem>>[vector<16xi32>, vector<16xi32>], vector<16xf32>,
      %gather3A_708 = tpu.vector_load_idx %arg5[%add3A_122, %broadcast_in_dim3A_695] : memref<256x128xf32, #tpu.memory_space<vmem>>[vector<16xi32>, vector<16xi32>], vector<16xf32>,
      %gather3A_709 = tpu.vector_load_idx %arg5[%add3A_126, %broadcast_in_dim3A_695] : memref<256x128xf32, #tpu.memory_space<vmem>>[vector<16xi32>, vector<16xi32>], vector<16xf32>,
      %gather3A_710 = tpu.vector_load_idx %arg5[%add3A_130, %broadcast_in_dim3A_695] : memref<256x128xf32, #tpu.memory_space<vmem>>[vector<16xi32>, vector<16xi32>], vector<16xf32>,
      %add3A_711 = arith.addf %gather3A, %get3A_37 : vector<16xf32>
      %add3A_712 = arith.addf %gather3A_696, %get3A_39 : vector<16xf32>
      %add3A_713 = arith.addf %gather3A_697, %get3A_41 : vector<16xf32>
      %add3A_714 = arith.addf %gather3A_698, %get3A_43 : vector<16xf32>
      %add3A_715 = arith.addf %gather3A_699, %get3A_45 : vector<16xf32>
      %add3A_716 = arith.addf %gather3A_700, %get3A_47 : vector<16xf32>
      %add3A_717 = arith.addf %gather3A_701, %get3A_49 : vector<16xf32>
      %add3A_718 = arith.addf %gather3A_702, %get3A_51 : vector<16xf32>
      %add3A_719 = arith.addf %gather3A_703, %get3A_53 : vector<16xf32>
      %add3A_720 = arith.addf %gather3A_704, %get3A_55 : vector<16xf32>
      %add3A_721 = arith.addf %gather3A_705, %get3A_57 : vector<16xf32>
      %add3A_722 = arith.addf %gather3A_706, %get3A_59 : vector<16xf32>
      %add3A_723 = arith.addf %gather3A_707, %get3A_61 : vector<16xf32>
      %add3A_724 = arith.addf %gather3A_708, %get3A_63 : vector<16xf32>
      %add3A_725 = arith.addf %gather3A_709, %get3A_65 : vector<16xf32>
      %add3A_726 = arith.addf %gather3A_710, %get3A_67 : vector<16xf32>
      %swap3A_727 = arith.index_cast %scan3A_693 : i32 to index
      %swap3A_728 = arith.constant 0 : index
      %swap3A_729 = tpu.vector_load %arg7[%swap3A_727, %swap3A_728] {strides = array<i32>} : memref<128x256xf32, #tpu.memory_space<vmem>>, vector<16xf32>,
      tpu.vector_store %arg7[%swap3A_727, %swap3A_728], %add3A_711 {strides = array<i32>} : memref<128x256xf32, #tpu.memory_space<vmem>>, vector<16xf32>,
      %swap3A_730 = arith.index_cast %scan3A_693 : i32 to index
      %swap3A_731 = arith.constant 16 : index
      %swap3A_732 = tpu.vector_load %arg7[%swap3A_730, %swap3A_731] {strides = array<i32>} : memref<128x256xf32, #tpu.memory_space<vmem>>, vector<16xf32>,
      tpu.vector_store %arg7[%swap3A_730, %swap3A_731], %add3A_712 {strides = array<i32>} : memref<128x256xf32, #tpu.memory_space<vmem>>, vector<16xf32>,
      %swap3A_733 = arith.index_cast %scan3A_693 : i32 to index
      %swap3A_734 = arith.constant 32 : index
      %swap3A_735 = tpu.vector_load %arg7[%swap3A_733, %swap3A_734] {strides = array<i32>} : memref<128x256xf32, #tpu.memory_space<vmem>>, vector<16xf32>,
      tpu.vector_store %arg7[%swap3A_733, %swap3A_734], %add3A_713 {strides = array<i32>} : memref<128x256xf32, #tpu.memory_space<vmem>>, vector<16xf32>,
      %swap3A_736 = arith.index_cast %scan3A_693 : i32 to index
      %swap3A_737 = arith.constant 48 : index
      %swap3A_738 = tpu.vector_load %arg7[%swap3A_736, %swap3A_737] {strides = array<i32>} : memref<128x256xf32, #tpu.memory_space<vmem>>, vector<16xf32>,
      tpu.vector_store %arg7[%swap3A_736, %swap3A_737], %add3A_714 {strides = array<i32>} : memref<128x256xf32, #tpu.memory_space<vmem>>, vector<16xf32>,
      %swap3A_739 = arith.index_cast %scan3A_693 : i32 to index
      %swap3A_740 = arith.constant 64 : index
      %swap3A_741 = tpu.vector_load %arg7[%swap3A_739, %swap3A_740] {strides = array<i32>} : memref<128x256xf32, #tpu.memory_space<vmem>>, vector<16xf32>,
      tpu.vector_store %arg7[%swap3A_739, %swap3A_740], %add3A_715 {strides = array<i32>} : memref<128x256xf32, #tpu.memory_space<vmem>>, vector<16xf32>,
      %swap3A_742 = arith.index_cast %scan3A_693 : i32 to index
      %swap3A_743 = arith.constant 80 : index
      %swap3A_744 = tpu.vector_load %arg7[%swap3A_742, %swap3A_743] {strides = array<i32>} : memref<128x256xf32, #tpu.memory_space<vmem>>, vector<16xf32>,
      tpu.vector_store %arg7[%swap3A_742, %swap3A_743], %add3A_716 {strides = array<i32>} : memref<128x256xf32, #tpu.memory_space<vmem>>, vector<16xf32>,
      %swap3A_745 = arith.index_cast %scan3A_693 : i32 to index
      %swap3A_746 = arith.constant 96 : index
      %swap3A_747 = tpu.vector_load %arg7[%swap3A_745, %swap3A_746] {strides = array<i32>} : memref<128x256xf32, #tpu.memory_space<vmem>>, vector<16xf32>,
      tpu.vector_store %arg7[%swap3A_745, %swap3A_746], %add3A_717 {strides = array<i32>} : memref<128x256xf32, #tpu.memory_space<vmem>>, vector<16xf32>,
      %swap3A_748 = arith.index_cast %scan3A_693 : i32 to index
      %swap3A_749 = arith.constant 112 : index
      %swap3A_750 = tpu.vector_load %arg7[%swap3A_748, %swap3A_749] {strides = array<i32>} : memref<128x256xf32, #tpu.memory_space<vmem>>, vector<16xf32>,
      tpu.vector_store %arg7[%swap3A_748, %swap3A_749], %add3A_718 {strides = array<i32>} : memref<128x256xf32, #tpu.memory_space<vmem>>, vector<16xf32>,
      %swap3A_751 = arith.index_cast %scan3A_693 : i32 to index
      %swap3A_752 = arith.constant 128 : index
      %swap3A_753 = tpu.vector_load %arg7[%swap3A_751, %swap3A_752] {strides = array<i32>} : memref<128x256xf32, #tpu.memory_space<vmem>>, vector<16xf32>,
      tpu.vector_store %arg7[%swap3A_751, %swap3A_752], %add3A_719 {strides = array<i32>} : memref<128x256xf32, #tpu.memory_space<vmem>>, vector<16xf32>,
      %swap3A_754 = arith.index_cast %scan3A_693 : i32 to index
      %swap3A_755 = arith.constant 144 : index
      %swap3A_756 = tpu.vector_load %arg7[%swap3A_754, %swap3A_755] {strides = array<i32>} : memref<128x256xf32, #tpu.memory_space<vmem>>, vector<16xf32>,
      tpu.vector_store %arg7[%swap3A_754, %swap3A_755], %add3A_720 {strides = array<i32>} : memref<128x256xf32, #tpu.memory_space<vmem>>, vector<16xf32>,
      %swap3A_757 = arith.index_cast %scan3A_693 : i32 to index
      %swap3A_758 = arith.constant 160 : index
      %swap3A_759 = tpu.vector_load %arg7[%swap3A_757, %swap3A_758] {strides = array<i32>} : memref<128x256xf32, #tpu.memory_space<vmem>>, vector<16xf32>,
      tpu.vector_store %arg7[%swap3A_757, %swap3A_758], %add3A_721 {strides = array<i32>} : memref<128x256xf32, #tpu.memory_space<vmem>>, vector<16xf32>,
      %swap3A_760 = arith.index_cast %scan3A_693 : i32 to index
      %swap3A_761 = arith.constant 176 : index
      %swap3A_762 = tpu.vector_load %arg7[%swap3A_760, %swap3A_761] {strides = array<i32>} : memref<128x256xf32, #tpu.memory_space<vmem>>, vector<16xf32>,
      tpu.vector_store %arg7[%swap3A_760, %swap3A_761], %add3A_722 {strides = array<i32>} : memref<128x256xf32, #tpu.memory_space<vmem>>, vector<16xf32>,
      %swap3A_763 = arith.index_cast %scan3A_693 : i32 to index
      %swap3A_764 = arith.constant 192 : index
      %swap3A_765 = tpu.vector_load %arg7[%swap3A_763, %swap3A_764] {strides = array<i32>} : memref<128x256xf32, #tpu.memory_space<vmem>>, vector<16xf32>,
      tpu.vector_store %arg7[%swap3A_763, %swap3A_764], %add3A_723 {strides = array<i32>} : memref<128x256xf32, #tpu.memory_space<vmem>>, vector<16xf32>,
      %swap3A_766 = arith.index_cast %scan3A_693 : i32 to index
      %swap3A_767 = arith.constant 208 : index
      %swap3A_768 = tpu.vector_load %arg7[%swap3A_766, %swap3A_767] {strides = array<i32>} : memref<128x256xf32, #tpu.memory_space<vmem>>, vector<16xf32>,
      tpu.vector_store %arg7[%swap3A_766, %swap3A_767], %add3A_724 {strides = array<i32>} : memref<128x256xf32, #tpu.memory_space<vmem>>, vector<16xf32>,
      %swap3A_769 = arith.index_cast %scan3A_693 : i32 to index
      %swap3A_770 = arith.constant 224 : index
      %swap3A_771 = tpu.vector_load %arg7[%swap3A_769, %swap3A_770] {strides = array<i32>} : memref<128x256xf32, #tpu.memory_space<vmem>>, vector<16xf32>,
      tpu.vector_store %arg7[%swap3A_769, %swap3A_770], %add3A_725 {strides = array<i32>} : memref<128x256xf32, #tpu.memory_space<vmem>>, vector<16xf32>,
      %swap3A_772 = arith.index_cast %scan3A_693 : i32 to index
      %swap3A_773 = arith.constant 240 : index
      %swap3A_774 = tpu.vector_load %arg7[%swap3A_772, %swap3A_773] {strides = array<i32>} : memref<128x256xf32, #tpu.memory_space<vmem>>, vector<16xf32>,
      tpu.vector_store %arg7[%swap3A_772, %swap3A_773], %add3A_726 {strides = array<i32>} : memref<128x256xf32, #tpu.memory_space<vmem>>, vector<16xf32>,
      %scan3A_775 = arith.constant 0 : i32
      scf.yield %scan3A_775 : i32
    }
    %scan3A_566 = arith.constant 128 : i32
    %mul3A_567 = arith.constant 16384 : i32
    %mul3A_568 = arith.muli %select_n3A, %mul3A_567 : i32
    %add3A_569 = arith.addi %mul3A_568, %select_n3A_34 : i32
    %add3A_570 = arith.constant 0 : i32
    %add3A_571 = arith.addi %add3A_569, %add3A_570 : i32
    %sub3A_572 = arith.constant 61440 : i32
    %sub3A_573 = arith.subi %add3A_571, %sub3A_572 : i32
    %mul3A_574 = arith.constant 2 : i32
    %mul3A_575 = arith.muli %sub3A_573, %mul3A_574 : i32
    %add3A_576 = arith.constant 0 : i32
    %add3A_577 = arith.addi %mul3A_575, %add3A_576 : i32
    %broadcast_in_dim3A_578 = vector.broadcast %add3A_577 : i32 to vector<16xi32>
    %get3A_579 = arith.constant 0 : index
    %get3A_580 = tpu.vector_load %arg13[%get3A_579] {strides = array<i32>} : memref<128xi32, #tpu.memory_space<vmem>>, vector<16xi32>,
    %add3A_581 = arith.addi %get3A_580, %broadcast_in_dim3A_578 : vector<16xi32>
    %swap3A_582 = arith.constant 0 : index
    %swap3A_583 = tpu.vector_load %arg12[%swap3A_582] {strides = array<i32>} : memref<128xi32, #tpu.memory_space<vmem>>, vector<16xi32>,
    tpu.vector_store %arg12[%swap3A_582], %add3A_581 {strides = array<i32>} : memref<128xi32, #tpu.memory_space<vmem>>, vector<16xi32>,
    %get3A_584 = arith.constant 16 : index
    %get3A_585 = tpu.vector_load %arg13[%get3A_584] {strides = array<i32>} : memref<128xi32, #tpu.memory_space<vmem>>, vector<16xi32>,
    %add3A_586 = arith.addi %get3A_585, %broadcast_in_dim3A_578 : vector<16xi32>
    %swap3A_587 = arith.constant 16 : index
    %swap3A_588 = tpu.vector_load %arg12[%swap3A_587] {strides = array<i32>} : memref<128xi32, #tpu.memory_space<vmem>>, vector<16xi32>,
    tpu.vector_store %arg12[%swap3A_587], %add3A_586 {strides = array<i32>} : memref<128xi32, #tpu.memory_space<vmem>>, vector<16xi32>,
    %get3A_589 = arith.constant 32 : index
    %get3A_590 = tpu.vector_load %arg13[%get3A_589] {strides = array<i32>} : memref<128xi32, #tpu.memory_space<vmem>>, vector<16xi32>,
    %add3A_591 = arith.addi %get3A_590, %broadcast_in_dim3A_578 : vector<16xi32>
    %swap3A_592 = arith.constant 32 : index
    %swap3A_593 = tpu.vector_load %arg12[%swap3A_592] {strides = array<i32>} : memref<128xi32, #tpu.memory_space<vmem>>, vector<16xi32>,
    tpu.vector_store %arg12[%swap3A_592], %add3A_591 {strides = array<i32>} : memref<128xi32, #tpu.memory_space<vmem>>, vector<16xi32>,
    %get3A_594 = arith.constant 48 : index
    %get3A_595 = tpu.vector_load %arg13[%get3A_594] {strides = array<i32>} : memref<128xi32, #tpu.memory_space<vmem>>, vector<16xi32>,
    %add3A_596 = arith.addi %get3A_595, %broadcast_in_dim3A_578 : vector<16xi32>
    %swap3A_597 = arith.constant 48 : index
    %swap3A_598 = tpu.vector_load %arg12[%swap3A_597] {strides = array<i32>} : memref<128xi32, #tpu.memory_space<vmem>>, vector<16xi32>,
    tpu.vector_store %arg12[%swap3A_597], %add3A_596 {strides = array<i32>} : memref<128xi32, #tpu.memory_space<vmem>>, vector<16xi32>,
    %get3A_599 = arith.constant 64 : index
    %get3A_600 = tpu.vector_load %arg13[%get3A_599] {strides = array<i32>} : memref<128xi32, #tpu.memory_space<vmem>>, vector<16xi32>,
    %add3A_601 = arith.addi %get3A_600, %broadcast_in_dim3A_578 : vector<16xi32>
    %swap3A_602 = arith.constant 64 : index
    %swap3A_603 = tpu.vector_load %arg12[%swap3A_602] {strides = array<i32>} : memref<128xi32, #tpu.memory_space<vmem>>, vector<16xi32>,
    tpu.vector_store %arg12[%swap3A_602], %add3A_601 {strides = array<i32>} : memref<128xi32, #tpu.memory_space<vmem>>, vector<16xi32>,
    %get3A_604 = arith.constant 80 : index
    %get3A_605 = tpu.vector_load %arg13[%get3A_604] {strides = array<i32>} : memref<128xi32, #tpu.memory_space<vmem>>, vector<16xi32>,
    %add3A_606 = arith.addi %get3A_605, %broadcast_in_dim3A_578 : vector<16xi32>
    %swap3A_607 = arith.constant 80 : index
    %swap3A_608 = tpu.vector_load %arg12[%swap3A_607] {strides = array<i32>} : memref<128xi32, #tpu.memory_space<vmem>>, vector<16xi32>,
    tpu.vector_store %arg12[%swap3A_607], %add3A_606 {strides = array<i32>} : memref<128xi32, #tpu.memory_space<vmem>>, vector<16xi32>,
    %get3A_609 = arith.constant 96 : index
    %get3A_610 = tpu.vector_load %arg13[%get3A_609] {strides = array<i32>} : memref<128xi32, #tpu.memory_space<vmem>>, vector<16xi32>,
    %add3A_611 = arith.addi %get3A_610, %broadcast_in_dim3A_578 : vector<16xi32>
    %swap3A_612 = arith.constant 96 : index
    %swap3A_613 = tpu.vector_load %arg12[%swap3A_612] {strides = array<i32>} : memref<128xi32, #tpu.memory_space<vmem>>, vector<16xi32>,
    tpu.vector_store %arg12[%swap3A_612], %add3A_611 {strides = array<i32>} : memref<128xi32, #tpu.memory_space<vmem>>, vector<16xi32>,
    %get3A_614 = arith.constant 112 : index
    %get3A_615 = tpu.vector_load %arg13[%get3A_614] {strides = array<i32>} : memref<128xi32, #tpu.memory_space<vmem>>, vector<16xi32>,
    %add3A_616 = arith.addi %get3A_615, %broadcast_in_dim3A_578 : vector<16xi32>
    %swap3A_617 = arith.constant 112 : index
    %swap3A_618 = tpu.vector_load %arg12[%swap3A_617] {strides = array<i32>} : memref<128xi32, #tpu.memory_space<vmem>>, vector<16xi32>,
    tpu.vector_store %arg12[%swap3A_617], %add3A_616 {strides = array<i32>} : memref<128xi32, #tpu.memory_space<vmem>>, vector<16xi32>,
    %dma_start3A_619 = arith.constant 0 : i32
    %dma_start3A_620 = arith.constant 0 : i32
    %dma_start3A_621 = tpu.memref_slice %arg4[%dma_start3A_619, %dma_start3A_620] : memref<8192x256xf32, #tpu.memory_space<hbm>> -> memref<8192x256xf32, #tpu.memory_space<hbm>>
    tpu.enqueue_indirect_dma source(%arg7 : memref<128x256xf32, #tpu.memory_space<vmem>>) target(%dma_start3A_621 : memref<8192x256xf32, #tpu.memory_space<hbm>>) offsets(%arg12 : memref<128xi32, #tpu.memory_space<vmem>>) semaphore(%arg16 : memref<!tpu.dma_semaphore, #tpu.memory_space<semaphore_mem>>)
    %dma_wait3A_622 = arith.constant 0 : i32
    %dma_wait3A_623 = arith.constant 0 : i32
    %dma_wait3A_624 = tpu.memref_slice %arg2[%dma_wait3A_622, %dma_wait3A_623] : memref<262144x128xf32, #tpu.memory_space<hbm>> -> memref<262144x128xf32, #tpu.memory_space<hbm>>
    tpu.wait_indirect_dma semaphore(%arg15 : memref<!tpu.dma_semaphore, #tpu.memory_space<semaphore_mem>>) src(%dma_wait3A_624 : memref<262144x128xf32, #tpu.memory_space<hbm>>) dst(%arg6 : memref<256x128xf32, #tpu.memory_space<vmem>>)
    %dma_wait3A_625 = arith.constant 0 : i32
    %dma_wait3A_626 = arith.constant 0 : i32
    %dma_wait3A_627 = tpu.memref_slice %arg4[%dma_wait3A_625, %dma_wait3A_626] : memref<8192x256xf32, #tpu.memory_space<hbm>> -> memref<8192x256xf32, #tpu.memory_space<hbm>>
    tpu.wait_indirect_dma semaphore(%arg16 : memref<!tpu.dma_semaphore, #tpu.memory_space<semaphore_mem>>) src(%arg7 : memref<128x256xf32, #tpu.memory_space<vmem>>) dst(%dma_wait3A_627 : memref<8192x256xf32, #tpu.memory_space<hbm>>)
    %scan3A_628 = arith.constant 0 : i32
    %scan3A_629 = arith.constant 0 : i32
    %scan3A_630 = arith.constant 128 : i32
    %scan3A_631 = arith.addi %scan3A_629, %scan3A_630 : i32
    %scan3A_632 = arith.constant 1 : i32
    %scan3A_633 = scf.for %scan3A_693 = %scan3A_629 to %scan3A_631 step %scan3A_632 iter_args(%scan3A_694 = %scan3A_628) -> (i32)  : i32 {
      %broadcast_in_dim3A_695 = vector.broadcast %scan3A_693 : i32 to vector<16xi32>
      %gather3A = tpu.vector_load_idx %arg6[%add3A_70, %broadcast_in_dim3A_695] : memref<256x128xf32, #tpu.memory_space<vmem>>[vector<16xi32>, vector<16xi32>], vector<16xf32>,
      %gather3A_696 = tpu.vector_load_idx %arg6[%add3A_74, %broadcast_in_dim3A_695] : memref<256x128xf32, #tpu.memory_space<vmem>>[vector<16xi32>, vector<16xi32>], vector<16xf32>,
      %gather3A_697 = tpu.vector_load_idx %arg6[%add3A_78, %broadcast_in_dim3A_695] : memref<256x128xf32, #tpu.memory_space<vmem>>[vector<16xi32>, vector<16xi32>], vector<16xf32>,
      %gather3A_698 = tpu.vector_load_idx %arg6[%add3A_82, %broadcast_in_dim3A_695] : memref<256x128xf32, #tpu.memory_space<vmem>>[vector<16xi32>, vector<16xi32>], vector<16xf32>,
      %gather3A_699 = tpu.vector_load_idx %arg6[%add3A_86, %broadcast_in_dim3A_695] : memref<256x128xf32, #tpu.memory_space<vmem>>[vector<16xi32>, vector<16xi32>], vector<16xf32>,
      %gather3A_700 = tpu.vector_load_idx %arg6[%add3A_90, %broadcast_in_dim3A_695] : memref<256x128xf32, #tpu.memory_space<vmem>>[vector<16xi32>, vector<16xi32>], vector<16xf32>,
      %gather3A_701 = tpu.vector_load_idx %arg6[%add3A_94, %broadcast_in_dim3A_695] : memref<256x128xf32, #tpu.memory_space<vmem>>[vector<16xi32>, vector<16xi32>], vector<16xf32>,
      %gather3A_702 = tpu.vector_load_idx %arg6[%add3A_98, %broadcast_in_dim3A_695] : memref<256x128xf32, #tpu.memory_space<vmem>>[vector<16xi32>, vector<16xi32>], vector<16xf32>,
      %gather3A_703 = tpu.vector_load_idx %arg6[%add3A_102, %broadcast_in_dim3A_695] : memref<256x128xf32, #tpu.memory_space<vmem>>[vector<16xi32>, vector<16xi32>], vector<16xf32>,
      %gather3A_704 = tpu.vector_load_idx %arg6[%add3A_106, %broadcast_in_dim3A_695] : memref<256x128xf32, #tpu.memory_space<vmem>>[vector<16xi32>, vector<16xi32>], vector<16xf32>,
      %gather3A_705 = tpu.vector_load_idx %arg6[%add3A_110, %broadcast_in_dim3A_695] : memref<256x128xf32, #tpu.memory_space<vmem>>[vector<16xi32>, vector<16xi32>], vector<16xf32>,
      %gather3A_706 = tpu.vector_load_idx %arg6[%add3A_114, %broadcast_in_dim3A_695] : memref<256x128xf32, #tpu.memory_space<vmem>>[vector<16xi32>, vector<16xi32>], vector<16xf32>,
      %gather3A_707 = tpu.vector_load_idx %arg6[%add3A_118, %broadcast_in_dim3A_695] : memref<256x128xf32, #tpu.memory_space<vmem>>[vector<16xi32>, vector<16xi32>], vector<16xf32>,
      %gather3A_708 = tpu.vector_load_idx %arg6[%add3A_122, %broadcast_in_dim3A_695] : memref<256x128xf32, #tpu.memory_space<vmem>>[vector<16xi32>, vector<16xi32>], vector<16xf32>,
      %gather3A_709 = tpu.vector_load_idx %arg6[%add3A_126, %broadcast_in_dim3A_695] : memref<256x128xf32, #tpu.memory_space<vmem>>[vector<16xi32>, vector<16xi32>], vector<16xf32>,
      %gather3A_710 = tpu.vector_load_idx %arg6[%add3A_130, %broadcast_in_dim3A_695] : memref<256x128xf32, #tpu.memory_space<vmem>>[vector<16xi32>, vector<16xi32>], vector<16xf32>,
      %add3A_711 = arith.addf %gather3A, %get3A_37 : vector<16xf32>
      %add3A_712 = arith.addf %gather3A_696, %get3A_39 : vector<16xf32>
      %add3A_713 = arith.addf %gather3A_697, %get3A_41 : vector<16xf32>
      %add3A_714 = arith.addf %gather3A_698, %get3A_43 : vector<16xf32>
      %add3A_715 = arith.addf %gather3A_699, %get3A_45 : vector<16xf32>
      %add3A_716 = arith.addf %gather3A_700, %get3A_47 : vector<16xf32>
      %add3A_717 = arith.addf %gather3A_701, %get3A_49 : vector<16xf32>
      %add3A_718 = arith.addf %gather3A_702, %get3A_51 : vector<16xf32>
      %add3A_719 = arith.addf %gather3A_703, %get3A_53 : vector<16xf32>
      %add3A_720 = arith.addf %gather3A_704, %get3A_55 : vector<16xf32>
      %add3A_721 = arith.addf %gather3A_705, %get3A_57 : vector<16xf32>
      %add3A_722 = arith.addf %gather3A_706, %get3A_59 : vector<16xf32>
      %add3A_723 = arith.addf %gather3A_707, %get3A_61 : vector<16xf32>
      %add3A_724 = arith.addf %gather3A_708, %get3A_63 : vector<16xf32>
      %add3A_725 = arith.addf %gather3A_709, %get3A_65 : vector<16xf32>
      %add3A_726 = arith.addf %gather3A_710, %get3A_67 : vector<16xf32>
      %swap3A_727 = arith.index_cast %scan3A_693 : i32 to index
      %swap3A_728 = arith.constant 0 : index
      %swap3A_729 = tpu.vector_load %arg7[%swap3A_727, %swap3A_728] {strides = array<i32>} : memref<128x256xf32, #tpu.memory_space<vmem>>, vector<16xf32>,
      tpu.vector_store %arg7[%swap3A_727, %swap3A_728], %add3A_711 {strides = array<i32>} : memref<128x256xf32, #tpu.memory_space<vmem>>, vector<16xf32>,
      %swap3A_730 = arith.index_cast %scan3A_693 : i32 to index
      %swap3A_731 = arith.constant 16 : index
      %swap3A_732 = tpu.vector_load %arg7[%swap3A_730, %swap3A_731] {strides = array<i32>} : memref<128x256xf32, #tpu.memory_space<vmem>>, vector<16xf32>,
      tpu.vector_store %arg7[%swap3A_730, %swap3A_731], %add3A_712 {strides = array<i32>} : memref<128x256xf32, #tpu.memory_space<vmem>>, vector<16xf32>,
      %swap3A_733 = arith.index_cast %scan3A_693 : i32 to index
      %swap3A_734 = arith.constant 32 : index
      %swap3A_735 = tpu.vector_load %arg7[%swap3A_733, %swap3A_734] {strides = array<i32>} : memref<128x256xf32, #tpu.memory_space<vmem>>, vector<16xf32>,
      tpu.vector_store %arg7[%swap3A_733, %swap3A_734], %add3A_713 {strides = array<i32>} : memref<128x256xf32, #tpu.memory_space<vmem>>, vector<16xf32>,
      %swap3A_736 = arith.index_cast %scan3A_693 : i32 to index
      %swap3A_737 = arith.constant 48 : index
      %swap3A_738 = tpu.vector_load %arg7[%swap3A_736, %swap3A_737] {strides = array<i32>} : memref<128x256xf32, #tpu.memory_space<vmem>>, vector<16xf32>,
      tpu.vector_store %arg7[%swap3A_736, %swap3A_737], %add3A_714 {strides = array<i32>} : memref<128x256xf32, #tpu.memory_space<vmem>>, vector<16xf32>,
      %swap3A_739 = arith.index_cast %scan3A_693 : i32 to index
      %swap3A_740 = arith.constant 64 : index
      %swap3A_741 = tpu.vector_load %arg7[%swap3A_739, %swap3A_740] {strides = array<i32>} : memref<128x256xf32, #tpu.memory_space<vmem>>, vector<16xf32>,
      tpu.vector_store %arg7[%swap3A_739, %swap3A_740], %add3A_715 {strides = array<i32>} : memref<128x256xf32, #tpu.memory_space<vmem>>, vector<16xf32>,
      %swap3A_742 = arith.index_cast %scan3A_693 : i32 to index
      %swap3A_743 = arith.constant 80 : index
      %swap3A_744 = tpu.vector_load %arg7[%swap3A_742, %swap3A_743] {strides = array<i32>} : memref<128x256xf32, #tpu.memory_space<vmem>>, vector<16xf32>,
      tpu.vector_store %arg7[%swap3A_742, %swap3A_743], %add3A_716 {strides = array<i32>} : memref<128x256xf32, #tpu.memory_space<vmem>>, vector<16xf32>,
      %swap3A_745 = arith.index_cast %scan3A_693 : i32 to index
      %swap3A_746 = arith.constant 96 : index
      %swap3A_747 = tpu.vector_load %arg7[%swap3A_745, %swap3A_746] {strides = array<i32>} : memref<128x256xf32, #tpu.memory_space<vmem>>, vector<16xf32>,
      tpu.vector_store %arg7[%swap3A_745, %swap3A_746], %add3A_717 {strides = array<i32>} : memref<128x256xf32, #tpu.memory_space<vmem>>, vector<16xf32>,
      %swap3A_748 = arith.index_cast %scan3A_693 : i32 to index
      %swap3A_749 = arith.constant 112 : index
      %swap3A_750 = tpu.vector_load %arg7[%swap3A_748, %swap3A_749] {strides = array<i32>} : memref<128x256xf32, #tpu.memory_space<vmem>>, vector<16xf32>,
      tpu.vector_store %arg7[%swap3A_748, %swap3A_749], %add3A_718 {strides = array<i32>} : memref<128x256xf32, #tpu.memory_space<vmem>>, vector<16xf32>,
      %swap3A_751 = arith.index_cast %scan3A_693 : i32 to index
      %swap3A_752 = arith.constant 128 : index
      %swap3A_753 = tpu.vector_load %arg7[%swap3A_751, %swap3A_752] {strides = array<i32>} : memref<128x256xf32, #tpu.memory_space<vmem>>, vector<16xf32>,
      tpu.vector_store %arg7[%swap3A_751, %swap3A_752], %add3A_719 {strides = array<i32>} : memref<128x256xf32, #tpu.memory_space<vmem>>, vector<16xf32>,
      %swap3A_754 = arith.index_cast %scan3A_693 : i32 to index
      %swap3A_755 = arith.constant 144 : index
      %swap3A_756 = tpu.vector_load %arg7[%swap3A_754, %swap3A_755] {strides = array<i32>} : memref<128x256xf32, #tpu.memory_space<vmem>>, vector<16xf32>,
      tpu.vector_store %arg7[%swap3A_754, %swap3A_755], %add3A_720 {strides = array<i32>} : memref<128x256xf32, #tpu.memory_space<vmem>>, vector<16xf32>,
      %swap3A_757 = arith.index_cast %scan3A_693 : i32 to index
      %swap3A_758 = arith.constant 160 : index
      %swap3A_759 = tpu.vector_load %arg7[%swap3A_757, %swap3A_758] {strides = array<i32>} : memref<128x256xf32, #tpu.memory_space<vmem>>, vector<16xf32>,
      tpu.vector_store %arg7[%swap3A_757, %swap3A_758], %add3A_721 {strides = array<i32>} : memref<128x256xf32, #tpu.memory_space<vmem>>, vector<16xf32>,
      %swap3A_760 = arith.index_cast %scan3A_693 : i32 to index
      %swap3A_761 = arith.constant 176 : index
      %swap3A_762 = tpu.vector_load %arg7[%swap3A_760, %swap3A_761] {strides = array<i32>} : memref<128x256xf32, #tpu.memory_space<vmem>>, vector<16xf32>,
      tpu.vector_store %arg7[%swap3A_760, %swap3A_761], %add3A_722 {strides = array<i32>} : memref<128x256xf32, #tpu.memory_space<vmem>>, vector<16xf32>,
      %swap3A_763 = arith.index_cast %scan3A_693 : i32 to index
      %swap3A_764 = arith.constant 192 : index
      %swap3A_765 = tpu.vector_load %arg7[%swap3A_763, %swap3A_764] {strides = array<i32>} : memref<128x256xf32, #tpu.memory_space<vmem>>, vector<16xf32>,
      tpu.vector_store %arg7[%swap3A_763, %swap3A_764], %add3A_723 {strides = array<i32>} : memref<128x256xf32, #tpu.memory_space<vmem>>, vector<16xf32>,
      %swap3A_766 = arith.index_cast %scan3A_693 : i32 to index
      %swap3A_767 = arith.constant 208 : index
      %swap3A_768 = tpu.vector_load %arg7[%swap3A_766, %swap3A_767] {strides = array<i32>} : memref<128x256xf32, #tpu.memory_space<vmem>>, vector<16xf32>,
      tpu.vector_store %arg7[%swap3A_766, %swap3A_767], %add3A_724 {strides = array<i32>} : memref<128x256xf32, #tpu.memory_space<vmem>>, vector<16xf32>,
      %swap3A_769 = arith.index_cast %scan3A_693 : i32 to index
      %swap3A_770 = arith.constant 224 : index
      %swap3A_771 = tpu.vector_load %arg7[%swap3A_769, %swap3A_770] {strides = array<i32>} : memref<128x256xf32, #tpu.memory_space<vmem>>, vector<16xf32>,
      tpu.vector_store %arg7[%swap3A_769, %swap3A_770], %add3A_725 {strides = array<i32>} : memref<128x256xf32, #tpu.memory_space<vmem>>, vector<16xf32>,
      %swap3A_772 = arith.index_cast %scan3A_693 : i32 to index
      %swap3A_773 = arith.constant 240 : index
      %swap3A_774 = tpu.vector_load %arg7[%swap3A_772, %swap3A_773] {strides = array<i32>} : memref<128x256xf32, #tpu.memory_space<vmem>>, vector<16xf32>,
      tpu.vector_store %arg7[%swap3A_772, %swap3A_773], %add3A_726 {strides = array<i32>} : memref<128x256xf32, #tpu.memory_space<vmem>>, vector<16xf32>,
      %scan3A_775 = arith.constant 0 : i32
      scf.yield %scan3A_775 : i32
    }
    %scan3A_634 = arith.constant 128 : i32
    %mul3A_635 = arith.constant 16384 : i32
    %mul3A_636 = arith.muli %select_n3A, %mul3A_635 : i32
    %add3A_637 = arith.addi %mul3A_636, %select_n3A_34 : i32
    %add3A_638 = arith.constant 0 : i32
    %add3A_639 = arith.addi %add3A_637, %add3A_638 : i32
    %sub3A_640 = arith.constant 61440 : i32
    %sub3A_641 = arith.subi %add3A_639, %sub3A_640 : i32
    %mul3A_642 = arith.constant 2 : i32
    %mul3A_643 = arith.muli %sub3A_641, %mul3A_642 : i32
    %add3A_644 = arith.constant 1 : i32
    %add3A_645 = arith.addi %mul3A_643, %add3A_644 : i32
    %broadcast_in_dim3A_646 = vector.broadcast %add3A_645 : i32 to vector<16xi32>
    %get3A_647 = arith.constant 0 : index
    %get3A_648 = tpu.vector_load %arg13[%get3A_647] {strides = array<i32>} : memref<128xi32, #tpu.memory_space<vmem>>, vector<16xi32>,
    %add3A_649 = arith.addi %get3A_648, %broadcast_in_dim3A_646 : vector<16xi32>
    %swap3A_650 = arith.constant 0 : index
    %swap3A_651 = tpu.vector_load %arg12[%swap3A_650] {strides = array<i32>} : memref<128xi32, #tpu.memory_space<vmem>>, vector<16xi32>,
    tpu.vector_store %arg12[%swap3A_650], %add3A_649 {strides = array<i32>} : memref<128xi32, #tpu.memory_space<vmem>>, vector<16xi32>,
    %get3A_652 = arith.constant 16 : index
    %get3A_653 = tpu.vector_load %arg13[%get3A_652] {strides = array<i32>} : memref<128xi32, #tpu.memory_space<vmem>>, vector<16xi32>,
    %add3A_654 = arith.addi %get3A_653, %broadcast_in_dim3A_646 : vector<16xi32>
    %swap3A_655 = arith.constant 16 : index
    %swap3A_656 = tpu.vector_load %arg12[%swap3A_655] {strides = array<i32>} : memref<128xi32, #tpu.memory_space<vmem>>, vector<16xi32>,
    tpu.vector_store %arg12[%swap3A_655], %add3A_654 {strides = array<i32>} : memref<128xi32, #tpu.memory_space<vmem>>, vector<16xi32>,
    %get3A_657 = arith.constant 32 : index
    %get3A_658 = tpu.vector_load %arg13[%get3A_657] {strides = array<i32>} : memref<128xi32, #tpu.memory_space<vmem>>, vector<16xi32>,
    %add3A_659 = arith.addi %get3A_658, %broadcast_in_dim3A_646 : vector<16xi32>
    %swap3A_660 = arith.constant 32 : index
    %swap3A_661 = tpu.vector_load %arg12[%swap3A_660] {strides = array<i32>} : memref<128xi32, #tpu.memory_space<vmem>>, vector<16xi32>,
    tpu.vector_store %arg12[%swap3A_660], %add3A_659 {strides = array<i32>} : memref<128xi32, #tpu.memory_space<vmem>>, vector<16xi32>,
    %get3A_662 = arith.constant 48 : index
    %get3A_663 = tpu.vector_load %arg13[%get3A_662] {strides = array<i32>} : memref<128xi32, #tpu.memory_space<vmem>>, vector<16xi32>,
    %add3A_664 = arith.addi %get3A_663, %broadcast_in_dim3A_646 : vector<16xi32>
    %swap3A_665 = arith.constant 48 : index
    %swap3A_666 = tpu.vector_load %arg12[%swap3A_665] {strides = array<i32>} : memref<128xi32, #tpu.memory_space<vmem>>, vector<16xi32>,
    tpu.vector_store %arg12[%swap3A_665], %add3A_664 {strides = array<i32>} : memref<128xi32, #tpu.memory_space<vmem>>, vector<16xi32>,
    %get3A_667 = arith.constant 64 : index
    %get3A_668 = tpu.vector_load %arg13[%get3A_667] {strides = array<i32>} : memref<128xi32, #tpu.memory_space<vmem>>, vector<16xi32>,
    %add3A_669 = arith.addi %get3A_668, %broadcast_in_dim3A_646 : vector<16xi32>
    %swap3A_670 = arith.constant 64 : index
    %swap3A_671 = tpu.vector_load %arg12[%swap3A_670] {strides = array<i32>} : memref<128xi32, #tpu.memory_space<vmem>>, vector<16xi32>,
    tpu.vector_store %arg12[%swap3A_670], %add3A_669 {strides = array<i32>} : memref<128xi32, #tpu.memory_space<vmem>>, vector<16xi32>,
    %get3A_672 = arith.constant 80 : index
    %get3A_673 = tpu.vector_load %arg13[%get3A_672] {strides = array<i32>} : memref<128xi32, #tpu.memory_space<vmem>>, vector<16xi32>,
    %add3A_674 = arith.addi %get3A_673, %broadcast_in_dim3A_646 : vector<16xi32>
    %swap3A_675 = arith.constant 80 : index
    %swap3A_676 = tpu.vector_load %arg12[%swap3A_675] {strides = array<i32>} : memref<128xi32, #tpu.memory_space<vmem>>, vector<16xi32>,
    tpu.vector_store %arg12[%swap3A_675], %add3A_674 {strides = array<i32>} : memref<128xi32, #tpu.memory_space<vmem>>, vector<16xi32>,
    %get3A_677 = arith.constant 96 : index
    %get3A_678 = tpu.vector_load %arg13[%get3A_677] {strides = array<i32>} : memref<128xi32, #tpu.memory_space<vmem>>, vector<16xi32>,
    %add3A_679 = arith.addi %get3A_678, %broadcast_in_dim3A_646 : vector<16xi32>
    %swap3A_680 = arith.constant 96 : index
    %swap3A_681 = tpu.vector_load %arg12[%swap3A_680] {strides = array<i32>} : memref<128xi32, #tpu.memory_space<vmem>>, vector<16xi32>,
    tpu.vector_store %arg12[%swap3A_680], %add3A_679 {strides = array<i32>} : memref<128xi32, #tpu.memory_space<vmem>>, vector<16xi32>,
    %get3A_682 = arith.constant 112 : index
    %get3A_683 = tpu.vector_load %arg13[%get3A_682] {strides = array<i32>} : memref<128xi32, #tpu.memory_space<vmem>>, vector<16xi32>,
    %add3A_684 = arith.addi %get3A_683, %broadcast_in_dim3A_646 : vector<16xi32>
    %swap3A_685 = arith.constant 112 : index
    %swap3A_686 = tpu.vector_load %arg12[%swap3A_685] {strides = array<i32>} : memref<128xi32, #tpu.memory_space<vmem>>, vector<16xi32>,
    tpu.vector_store %arg12[%swap3A_685], %add3A_684 {strides = array<i32>} : memref<128xi32, #tpu.memory_space<vmem>>, vector<16xi32>,
    %dma_start3A_687 = arith.constant 0 : i32
    %dma_start3A_688 = arith.constant 0 : i32
    %dma_start3A_689 = tpu.memref_slice %arg4[%dma_start3A_687, %dma_start3A_688] : memref<8192x256xf32, #tpu.memory_space<hbm>> -> memref<8192x256xf32, #tpu.memory_space<hbm>>
    tpu.enqueue_indirect_dma source(%arg7 : memref<128x256xf32, #tpu.memory_space<vmem>>) target(%dma_start3A_689 : memref<8192x256xf32, #tpu.memory_space<hbm>>) offsets(%arg12 : memref<128xi32, #tpu.memory_space<vmem>>) semaphore(%arg16 : memref<!tpu.dma_semaphore, #tpu.memory_space<semaphore_mem>>)
    %dma_wait3A_690 = arith.constant 0 : i32
    %dma_wait3A_691 = arith.constant 0 : i32
    %dma_wait3A_692 = tpu.memref_slice %arg4[%dma_wait3A_690, %dma_wait3A_691] : memref<8192x256xf32, #tpu.memory_space<hbm>> -> memref<8192x256xf32, #tpu.memory_space<hbm>>
    tpu.wait_indirect_dma semaphore(%arg16 : memref<!tpu.dma_semaphore, #tpu.memory_space<semaphore_mem>>) src(%arg7 : memref<128x256xf32, #tpu.memory_space<vmem>>) dst(%dma_wait3A_692 : memref<8192x256xf32, #tpu.memory_space<hbm>>)
    return
  }
}

module attributes {stable_mosaic.version = 14 : i64} {
  func.func @_tc_body(%arg0: i32, %arg1: memref<1x2x256x8x128xf32, #tpu.memory_space<vmem>>, %arg2: memref<1x1x256xf32, #tpu.memory_space<vmem>>, %arg3: memref<1024x2x256xf32, #tpu.memory_space<vmem>>) attributes {dimension_semantics = [#tpu.dimension_semantics<arbitrary>], iteration_bounds = array<i64: 60>, scalar_prefetch = 0 : i64, scratch_operands = 0 : i64, tpu.core_type = #tpu.core_type<tc>, window_params = [{transform_indices = @transform_0, window_bounds = array<i64: 1, 2, 256, 8, 128>}, {transform_indices = @transform_1, window_bounds = array<i64: 1, 1, 256>}, {transform_indices = @transform_2, window_bounds = array<i64: 1024, 2, 256>}]} {
    %get3A = arith.constant 0 : index
    %get3A_0 = arith.constant 0 : index
    %get3A_1 = arith.constant 0 : index
    %get3A_2 = vector.load %arg2[%get3A, %get3A_0, %get3A_1] : memref<1x1x256xf32, #tpu.memory_space<vmem>>, vector<1x1x256xf32>
    %get3A_3 = vector.shape_cast %get3A_2 : vector<1x1x256xf32> to vector<1x256xf32>
    %get3A_4 = arith.constant 0 : index
    %get3A_5 = arith.constant 0 : index
    %get3A_6 = arith.constant 0 : index
    %get3A_7 = arith.constant 0 : index
    %get3A_8 = arith.constant 0 : index
    %get3A_9 = vector.load %arg1[%get3A_4, %get3A_5, %get3A_6, %get3A_7, %get3A_8] : memref<1x2x256x8x128xf32, #tpu.memory_space<vmem>>, vector<1x1x256x8x128xf32>
    %get3A_10 = vector.shape_cast %get3A_9 : vector<1x1x256x8x128xf32> to vector<256x8x128xf32>
    %reshape3A = vector.shape_cast %get3A_10 : vector<256x8x128xf32> to vector<256x1024xf32>
    %transpose3A = tpu.transpose %reshape3A, [1, 0] : vector<256x1024xf32> -> vector<1024x256xf32>
    %add3A = vector.broadcast %get3A_3 : vector<1x256xf32> to vector<1024x256xf32>
    %add3A_11 = arith.addf %transpose3A, %add3A : vector<1024x256xf32>
    %swap3A = arith.constant 0 : index
    %swap3A_12 = arith.constant 0 : index
    %swap3A_13 = arith.constant 0 : index
    %swap3A_14 = vector.load %arg3[%swap3A, %swap3A_12, %swap3A_13] : memref<1024x2x256xf32, #tpu.memory_space<vmem>>, vector<1024x1x256xf32>
    %swap3A_15 = vector.shape_cast %swap3A_14 : vector<1024x1x256xf32> to vector<1024x256xf32>
    %swap3A_16 = vector.shape_cast %add3A_11 : vector<1024x256xf32> to vector<1024x1x256xf32>
    tpu.vector_store %arg3[%swap3A, %swap3A_12, %swap3A_13], %swap3A_16 {strides = array<i32>} : memref<1024x2x256xf32, #tpu.memory_space<vmem>>, vector<1024x1x256xf32>,
    %get3A_17 = arith.constant 0 : index
    %get3A_18 = arith.constant 1 : index
    %get3A_19 = arith.constant 0 : index
    %get3A_20 = arith.constant 0 : index
    %get3A_21 = arith.constant 0 : index
    %get3A_22 = vector.load %arg1[%get3A_17, %get3A_18, %get3A_19, %get3A_20, %get3A_21] : memref<1x2x256x8x128xf32, #tpu.memory_space<vmem>>, vector<1x1x256x8x128xf32>
    %get3A_23 = vector.shape_cast %get3A_22 : vector<1x1x256x8x128xf32> to vector<256x8x128xf32>
    %reshape3A_24 = vector.shape_cast %get3A_23 : vector<256x8x128xf32> to vector<256x1024xf32>
    %transpose3A_25 = tpu.transpose %reshape3A_24, [1, 0] : vector<256x1024xf32> -> vector<1024x256xf32>
    %add3A_26 = vector.broadcast %get3A_3 : vector<1x256xf32> to vector<1024x256xf32>
    %add3A_27 = arith.addf %transpose3A_25, %add3A_26 : vector<1024x256xf32>
    %swap3A_28 = arith.constant 0 : index
    %swap3A_29 = arith.constant 1 : index
    %swap3A_30 = arith.constant 0 : index
    %swap3A_31 = vector.load %arg3[%swap3A_28, %swap3A_29, %swap3A_30] : memref<1024x2x256xf32, #tpu.memory_space<vmem>>, vector<1024x1x256xf32>
    %swap3A_32 = vector.shape_cast %swap3A_31 : vector<1024x1x256xf32> to vector<1024x256xf32>
    %swap3A_33 = vector.shape_cast %add3A_27 : vector<1024x256xf32> to vector<1024x1x256xf32>
    tpu.vector_store %arg3[%swap3A_28, %swap3A_29, %swap3A_30], %swap3A_33 {strides = array<i32>} : memref<1024x2x256xf32, #tpu.memory_space<vmem>>, vector<1024x1x256xf32>,
    return
  }
  func.func @transform_0(%arg0: i32) -> (i32, i32, i32, i32, i32) {
    %jit3A = arith.constant 16 : i32
    %div3A = arith.divsi %arg0, %jit3A : i32
    %sign3A = arith.constant 0 : i32
    %sign3A_0 = arith.cmpi sgt, %arg0, %sign3A : i32
    %sign3A_1 = arith.extui %sign3A_0 : i1 to i32
    %sign3A_2 = arith.constant 0 : i32
    %sign3A_3 = arith.cmpi slt, %arg0, %sign3A_2 : i32
    %sign3A_4 = arith.extui %sign3A_3 : i1 to i32
    %sign3A_5 = arith.subi %sign3A_1, %sign3A_4 : i32
    %sign3A_6 = arith.constant 0 : i32
    %sign3A_7 = arith.cmpi sgt, %jit3A, %sign3A_6 : i32
    %sign3A_8 = arith.extui %sign3A_7 : i1 to i32
    %sign3A_9 = arith.constant 0 : i32
    %sign3A_10 = arith.cmpi slt, %jit3A, %sign3A_9 : i32
    %sign3A_11 = arith.extui %sign3A_10 : i1 to i32
    %sign3A_12 = arith.subi %sign3A_8, %sign3A_11 : i32
    %ne3A = arith.cmpi ne, %sign3A_5, %sign3A_12 : i32
    %rem3A = arith.remsi %arg0, %jit3A : i32
    %ne3A_13 = arith.constant 0 : i32
    %ne3A_14 = arith.cmpi ne, %rem3A, %ne3A_13 : i32
    %and3A = arith.andi %ne3A, %ne3A_14 : i1
    %sub3A = arith.constant 1 : i32
    %sub3A_15 = arith.subi %div3A, %sub3A : i32
    %select_n3A = arith.select %and3A, %sub3A_15, %div3A : i32
    %jit3A_16 = arith.constant 16 : i32
    %eq3A = arith.constant 0 : i32
    %eq3A_17 = arith.cmpi eq, %jit3A_16, %eq3A : i32
    %jit3A_18 = arith.constant 1 : i32
    %select_n3A_19 = arith.select %eq3A_17, %jit3A_18, %jit3A_16 : i32
    %rem3A_20 = arith.remsi %arg0, %select_n3A_19 : i32
    %ne3A_21 = arith.constant 0 : i32
    %ne3A_22 = arith.cmpi ne, %rem3A_20, %ne3A_21 : i32
    %lt3A = arith.constant 0 : i32
    %lt3A_23 = arith.cmpi slt, %rem3A_20, %lt3A : i32
    %lt3A_24 = arith.constant 0 : i32
    %lt3A_25 = arith.cmpi slt, %select_n3A_19, %lt3A_24 : i32
    %ne3A_26 = arith.xori %lt3A_23, %lt3A_25 : i1
    %and3A_27 = arith.andi %ne3A_26, %ne3A_22 : i1
    %add3A = arith.addi %rem3A_20, %select_n3A_19 : i32
    %select_n3A_28 = arith.select %and3A_27, %add3A, %rem3A_20 : i32
    %c0_i32 = arith.constant 0 : i32
    %c0_i32_29 = arith.constant 0 : i32
    %c0_i32_30 = arith.constant 0 : i32
    %c0_i32_31 = arith.constant 0 : i32
    return %select_n3A, %c0_i32, %c0_i32_29, %select_n3A_28, %c0_i32_30 : i32, i32, i32, i32, i32
  }
  func.func @transform_1(%arg0: i32) -> (i32, i32, i32) {
    %jit3A = arith.constant 16 : i32
    %div3A = arith.divsi %arg0, %jit3A : i32
    %sign3A = arith.constant 0 : i32
    %sign3A_0 = arith.cmpi sgt, %arg0, %sign3A : i32
    %sign3A_1 = arith.extui %sign3A_0 : i1 to i32
    %sign3A_2 = arith.constant 0 : i32
    %sign3A_3 = arith.cmpi slt, %arg0, %sign3A_2 : i32
    %sign3A_4 = arith.extui %sign3A_3 : i1 to i32
    %sign3A_5 = arith.subi %sign3A_1, %sign3A_4 : i32
    %sign3A_6 = arith.constant 0 : i32
    %sign3A_7 = arith.cmpi sgt, %jit3A, %sign3A_6 : i32
    %sign3A_8 = arith.extui %sign3A_7 : i1 to i32
    %sign3A_9 = arith.constant 0 : i32
    %sign3A_10 = arith.cmpi slt, %jit3A, %sign3A_9 : i32
    %sign3A_11 = arith.extui %sign3A_10 : i1 to i32
    %sign3A_12 = arith.subi %sign3A_8, %sign3A_11 : i32
    %ne3A = arith.cmpi ne, %sign3A_5, %sign3A_12 : i32
    %rem3A = arith.remsi %arg0, %jit3A : i32
    %ne3A_13 = arith.constant 0 : i32
    %ne3A_14 = arith.cmpi ne, %rem3A, %ne3A_13 : i32
    %and3A = arith.andi %ne3A, %ne3A_14 : i1
    %sub3A = arith.constant 1 : i32
    %sub3A_15 = arith.subi %div3A, %sub3A : i32
    %select_n3A = arith.select %and3A, %sub3A_15, %div3A : i32
    %c0_i32 = arith.constant 0 : i32
    %c0_i32_16 = arith.constant 0 : i32
    %c0_i32_17 = arith.constant 0 : i32
    return %select_n3A, %c0_i32, %c0_i32_16 : i32, i32, i32
  }
  func.func @transform_2(%arg0: i32) -> (i32, i32, i32) {
    %c0_i32 = arith.constant 0 : i32
    %c0_i32_0 = arith.constant 0 : i32
    %c0_i32_1 = arith.constant 0 : i32
    return %arg0, %c0_i32, %c0_i32_0 : i32, i32, i32
  }
}

module attributes {stable_mosaic.version = 14 : i64} {
  func.func @_copy_body(%arg0: i32, %arg1: memref<1024x2x256xf32, #tpu.memory_space<vmem>>, %arg2: memref<65536x2x256xf32, #tpu.memory_space<any>>, %arg3: memref<1024x2x256xf32, #tpu.memory_space<vmem>>) attributes {dimension_semantics = [#tpu.dimension_semantics<arbitrary>], iteration_bounds = array<i64: 4>, scalar_prefetch = 0 : i64, scratch_operands = 0 : i64, tpu.core_type = #tpu.core_type<tc>, window_params = [{transform_indices = @transform_0, window_bounds = array<i64: 1024, 2, 256>}, {}, {transform_indices = @transform_2, window_bounds = array<i64: 1024, 2, 256>}]} {
    %get3A = arith.constant 0 : index
    %get3A_0 = arith.constant 0 : index
    %get3A_1 = arith.constant 0 : index
    %get3A_2 = vector.load %arg1[%get3A, %get3A_0, %get3A_1] : memref<1024x2x256xf32, #tpu.memory_space<vmem>>, vector<1024x2x256xf32>
    %swap3A = arith.constant 0 : index
    %swap3A_3 = arith.constant 0 : index
    %swap3A_4 = arith.constant 0 : index
    %swap3A_5 = vector.load %arg3[%swap3A, %swap3A_3, %swap3A_4] : memref<1024x2x256xf32, #tpu.memory_space<vmem>>, vector<1024x2x256xf32>
    tpu.vector_store %arg3[%swap3A, %swap3A_3, %swap3A_4], %get3A_2 {strides = array<i32>} : memref<1024x2x256xf32, #tpu.memory_space<vmem>>, vector<1024x2x256xf32>,
    return
  }
  func.func @transform_0(%arg0: i32) -> (i32, i32, i32) {
    %c0_i32 = arith.constant 0 : i32
    %c0_i32_0 = arith.constant 0 : i32
    %c0_i32_1 = arith.constant 0 : i32
    return %arg0, %c0_i32, %c0_i32_0 : i32, i32, i32
  }
  func.func @transform_2(%arg0: i32) -> (i32, i32, i32) {
    %add3A = arith.constant 60 : i32
    %add3A_0 = arith.addi %add3A, %arg0 : i32
    %c0_i32 = arith.constant 0 : i32
    %c0_i32_1 = arith.constant 0 : i32
    %c0_i32_2 = arith.constant 0 : i32
    return %add3A_0, %c0_i32, %c0_i32_1 : i32, i32, i32
  }
}

</mosaic_0001>

<sc_bundles>
// kernel: kernel.5.cloned.1.call-start
scs
__scs_entry_jumppad:
0x0: {  	(pc) =	sbr.rel $0x88, $3  }
0x1: {  	(tag) =	ssettag $0x0;
	lr =	simm.s32 $0x1  }
0x2: {  	[smem:$0x3F9F] =	sst lr;
	_ =	strace $0xD0000000  }
0x3: {  	_ = 	snop  }
0x4: {  	_ = 	snop  }
0x5: {  	_ = 	snop  }
0x6: {  	_ = 	snop  }
0x7: {  	_ = 	snop  }
__scs_overlays_trampoline_lowered:
0x8: {  	[smem:$0x3FAE] =	sst s0  }
0x9: {  	[smem:$0x3FAF] =	sst s1  }
0xa: {  	[smem:$0x3FB0] =	sst s2  }
0xb: {  	[smem:$0x3FB1] =	sst s3  }
0xc: {  	[smem:$0x3FB2] =	sst s4  }
0xd: {  	[smem:$0x3FB3] =	sst s5  }
0xe: {  	[smem:$0x3FB4] =	sst s6  }
0xf: {  	[smem:$0x3FB5] =	sst s7  }
0x10: {  	[smem:$0x3FB6] =	sst s8  }
0x11: {  	[smem:$0x3FB7] =	sst s9;
	s0 =	simm.s32 @!p0 $0x0  }
0x12: {  	s1 =	sld [smem:$0x3F9D];
	s0 =	simm.s32 @p0 $0x1  }
0x13: {  	[smem:$0x3FB8] =	sst s0;
	s0 =	simm.s32 @!p1 $0x0  }
0x14: {  	s2 =	sld [smem:$0x3F9C];
	s0 =	simm.s32 @p1 $0x1  }
0x15: {  	[smem:$0x3FB9] =	sst s0;
	s0 =	simm.s32 @!p2 $0x0  }
0x16: {  	s3 =	sld [smem:$0x3FDB];
	s0 =	simm.s32 @p2 $0x1  }
0x17: {  	s4 =	simm.s32 $0x1BF5;
	[smem:$0x3FBB] =	sst s0  }
0x18: {  	s0 =	sld [smem:$0x3F9E];
	_ =	swait.ge [sflag:s4], $0x0  }
0x19: {  	s7 =	sld [smem:$0x3F9F]  }
0x1a: {  	s8 =	sadd.s32 $0xFFFFE003, lr  }
0x1b: {  	s9 =	sadd.s32 $0xFFFFFEF7, lr;
	s5 =	simm.s32 $0xFFFFFFFF;
	p2 =	slt.u32 s8, $0xFFFFF086  }
0x1c: {  	p1 =	slt.u32 s9, $0xF7A;
	s5 =	simm.s32 @!p2 $0x0  }
0x1d: {  	s5 =	simm.s32 @p1 $0x1;
	p0 =	seq.s32 s7, s2  }
0x1e: {  	s7 =	smul.u32 @!p0 $0xF7A, s2;
	p2 =	seq.s32 @!p0 s5, $0x0  }
0x1f: {  	s9 =	smul.u32 $0xF7A, s1;
	s8 =	simm.s32 @!p0 $0x1BF5;
	p2 =	por !p2, p0  }
0x20: {  	[sflag:s8] =	ssyncset.s32 @!p0 $0xFFFFF086;
	s6 =	sadd.s32 @!p0 s3, s7;
	s7 =	simm.s32 @!p0 $0x108  }
0x21: {  	s3 =	sadd.s32 s3, s9;
	s6 =	sadd.s32 @!p0 $0x88, s6;
	s7 =	simm.s32 @p2 $0x1082  }
0x22: {  	[simem:s7], [sflag:s8] =	dma.local @!p0 [hbm:s6], $0xF7A  }
0x23: {  	s9 =	sor.u32 $0xD0000000, s2;
	s6 =	simm.s32 $0x108;
	_ =	swait.ge @!p0 [sflag:s8], $0x0  }
0x24: {  	s3 =	sadd.s32 $0x88, s3;
	s6 =	simm.s32 @!p1 $0x1082;
	[sflag:s4] =	ssyncset.s32 $0xFFFFF086  }
0x25: {  	[simem:s6], [sflag:s4] =	dma.local [hbm:s3], $0xF7A  }
0x26: {  	[smem:$0x3F9F] =	sst s1;
	(tag) =	ssettag s2;
	_ =	strace s9  }
0x27: {  	s1 =	sld [smem:$0x3FAF]  }
0x28: {  	s2 =	sld [smem:$0x3FB0]  }
0x29: {  	s4 =	sld [smem:$0x3FB2]  }
0x2a: {  	p0 =	seq.s32 s5, $0x0;
	s5 =	sld [smem:$0x3FB3]  }
0x2b: {  	s6 =	sld [smem:$0x3FB4]  }
0x2c: {  	s7 =	sld [smem:$0x3FB5]  }
0x2d: {  	s3 =	simm.s32 $0x108;
	s8 =	sld [smem:$0x3FB6]  }
0x2e: {  	s3 =	simm.s32 @!p0 $0x1082;
	s9 =	sld [smem:$0x3FB7]  }
0x2f: {  	lr =	sadd.s32 s0, s3;
	s0 =	sld [smem:$0x3FAE]  }
0x30: {  	s3 =	sld [smem:$0x3FB1]  }
0x31: {  	[smem:$0x3FBA] =	sst s10  }
0x32: {  	s10 =	sld [smem:$0x3FB8];
	_ =	sdelay $0x3  }
0x33: {  	p0 =	seq.s32 s10, $0x1;
	s10 =	sld [smem:$0x3FBA];
	_ =	sdelay $0x3  }
0x34: {  	[smem:$0x3FBA] =	sst s10  }
0x35: {  	s10 =	sld [smem:$0x3FB9];
	_ =	sdelay $0x3  }
0x36: {  	p1 =	seq.s32 s10, $0x1;
	s10 =	sld [smem:$0x3FBA];
	_ =	sdelay $0x3  }
0x37: {  	[smem:$0x3FBA] =	sst s10  }
0x38: {  	s10 =	sld [smem:$0x3FBB]  }
0x39: {  	_ = 	snop;
	(pc) =	sbr.ind lr, $3  }
0x3a: {  	_ = 	snop  }
0x3b: {  	_ = 	snop  }
0x3c: {  	p2 =	seq.s32 s10, $0x1;
	s10 =	sld [smem:$0x3FBA]  }
0x3d: {  	_ =	shalt  }
0x3e: {  	_ =	shalt  }
0x3f: {  	_ =	shalt  }
0x40: {  	_ =	shalt  }
0x41: {  	_ =	shalt  }
0x42: {  	_ =	shalt  }
0x43: {  	_ =	shalt  }
0x44: {  	_ =	shalt  }
0x45: {  	_ =	shalt  }
0x46: {  	_ =	shalt  }
0x47: {  	_ =	shalt  }
0x48: {  	_ =	shalt  }
0x49: {  	_ =	shalt  }
0x4a: {  	_ =	shalt  }
0x4b: {  	_ =	shalt  }
0x4c: {  	_ =	shalt  }
0x4d: {  	_ =	shalt  }
0x4e: {  	_ =	shalt  }
0x4f: {  	_ =	shalt  }
0x50: {  	_ =	shalt  }
0x51: {  	_ =	shalt  }
0x52: {  	_ =	shalt  }
0x53: {  	_ =	shalt  }
0x54: {  	_ =	shalt  }
0x55: {  	_ =	shalt  }
0x56: {  	_ =	shalt  }
0x57: {  	_ =	shalt  }
0x58: {  	_ =	shalt  }
0x59: {  	_ =	shalt  }
0x5a: {  	_ =	shalt  }
0x5b: {  	_ =	shalt  }
0x5c: {  	_ =	shalt  }
0x5d: {  	_ =	shalt  }
0x5e: {  	_ =	shalt  }
0x5f: {  	_ =	shalt  }
0x60: {  	_ =	shalt  }
0x61: {  	_ =	shalt  }
0x62: {  	_ =	shalt  }
0x63: {  	_ =	shalt  }
0x64: {  	_ =	shalt  }
0x65: {  	_ =	shalt  }
0x66: {  	_ =	shalt  }
0x67: {  	_ =	shalt  }
0x68: {  	_ =	shalt  }
0x69: {  	_ =	shalt  }
0x6a: {  	_ =	shalt  }
0x6b: {  	_ =	shalt  }
0x6c: {  	_ =	shalt  }
0x6d: {  	_ =	shalt  }
0x6e: {  	_ =	shalt  }
0x6f: {  	_ =	shalt  }
0x70: {  	_ =	shalt  }
0x71: {  	_ =	shalt  }
0x72: {  	_ =	shalt  }
0x73: {  	_ =	shalt  }
0x74: {  	_ =	shalt  }
0x75: {  	_ =	shalt  }
0x76: {  	_ =	shalt  }
0x77: {  	_ =	shalt  }
0x78: {  	_ =	shalt  }
0x79: {  	_ =	shalt  }
0x7a: {  	_ =	shalt  }
0x7b: {  	_ =	shalt  }
0x7c: {  	_ =	shalt  }
0x7d: {  	_ =	shalt  }
0x7e: {  	_ =	shalt  }
0x7f: {  	_ =	shalt  }
0x80: {  	_ =	shalt  }
0x81: {  	_ =	shalt  }
0x82: {  	_ =	shalt  }
0x83: {  	_ =	shalt  }
0x84: {  	_ =	shalt  }
0x85: {  	_ =	shalt  }
0x86: {  	_ =	shalt  }
0x87: {  	_ =	shalt  }
.Lfunc_end0:
.L_simem_size_0:
called_computation_lowered:
.L_overlay_start_0:
0x88: {  	s2 =	sld [smem:$0x3FD9]  }
0x89: {  	s3 =	sld [smem:$0x3FFE];
	_ =	sdelay $0x1  }
0x8a: {  	s1 =	srdreg.scid  }
0x8b: {  	s0 =	sand.u32 $0x1, s1  }
0x8c: {  	s17 =	sshll.u32 s0, $0xA;
	s2 =	sadd.s32 s3, s2  }
0x8d: {  	s2 =	sadd.s32 s2, s17  }
0x8e: {  	[smem:$0x3FC6] =	sst s2  }
0x8f: {  	_ = 	snop  }
0x90: {  	s2 =	sld [smem:$0x3FC9];
	(tm) =	ssettm $0x1  }
0x91: {  	s18 =	sld [smem:$0x3FFB];
	_ =	sdelay $0x3  }
0x92: {  	_ =	strace s18  }
0x93: {  	s3 =	sld [smem:$0x3FFC];
	_ =	sdelay $0x3  }
0x94: {  	_ =	strace s3  }
0x95: {  	s3 =	sld [smem:$0x3FFD];
	_ =	sdelay $0x3  }
0x96: {  	_ =	strace s3  }
0x97: {  	_ =	strace $0x8FFFFFFF  }
0x98: {  	s19 =	sld [smem:$0x3FDB];
	_ =	sdelay $0x1  }
0x99: {  	s4 =	simm.s32 $_scs_section_size  }
0x9a: {  	s5 =	simm.s32 $_size__tile_overlayer_lowered;
	s6 =	simm.s32 $_tile_overlayer_lowered  }
0x9b: {  	s22 =	simm.s32 $0x1BFF;
	s21 =	sshll.u32 s6, $0x1;
	s3 =	sadd.s32 s4, s19  }
0x9c: {  	s7 =	simm.s32 $0x0;
	s20 =	sshll.u32 s5, $0x1;
	s5 =	sadd.s32 s21, s3  }
0x9d: {  	[timem:s7], [sflag:s22] =	dma.local [hbm:s5], s20  }
0x9e: {  	_ =	swait.ge [sflag:s22], s20  }
0x9f: {  	s4 =	ssub.s32 $0x0, s20;
	[sflag:s22] =	ssyncset.done $0x0  }
0xa0: {  	[sflag:s22] =	ssyncadd.s32 s4;
	_ =	sdelay $0x1  }
0xa1: {  	s23 =	simm.s32 $0x1B8B  }
0xa2: {  	_ =	swait.ge [sflag:s23], $0x1  }
0xa3: {  	[sflag:s23] =	ssyncset.done $0x0  }
0xa4: {  	s25 =	simm.s32 $0x1B8E;
	s24 =	sld [smem:$0x3FFE];
	[sflag:s23] =	ssyncadd.s32 $0xFFFFFFFF  }
0xa5: {  	s26 =	simm.s32 $execute0_lowered;
	[smem:$0x3FD2] =	sst s25  }
0xa6: {  	s5 =	sshll.u32 s26, $0x1;
	_ =	strace $0x80000046;
	[dreg:$0x1] =	wrdreg $0xFFFFFFFF  }
0xa7: {  	s28 =	simm.s32 $_size_execute0_lowered;
	s3 =	sadd.s32 s3, s5;
	[dreg:$0x0] =	wrdreg $0x0  }
0xa8: {  	s5 =	sshll.u32 s28, $0x1;
	[dreg:$0x2] =	wrdreg s3  }
0xa9: {  	[dreg:$0x3] =	wrdreg s5  }
0xaa: {  	[dreg:$0x4] =	wrdreg $0xC0  }
0xab: {  	_ =	task [dreg:s7], $0x5FFFF  }
0xac: {  	[dreg:$0x1] =	wrdreg $0xFFFFFFFF  }
0xad: {  	[dreg:$0x0] =	wrdreg $0x60  }
0xae: {  	[dreg:$0x2] =	wrdreg s2  }
0xaf: {  	[dreg:$0x3] =	wrdreg s24  }
0xb0: {  	[dreg:$0x4] =	wrdreg $0x9  }
0xb1: {  	_ =	task.clear_ibuf [dreg:s7], $0x5FFFF;
	_ =	strace $0x90000046  }
0xb2: {  	s29 =	simm.s32 $0x9;
	_ =	strace $0x80000048  }
0xb3: {  	_ =	swait.ge [sflag:s29], $0x1  }
0xb4: {  	[sflag:s29] =	ssyncadd.s32 $0xFFFFFFFF  }
0xb5: {  	_ =	strace $0x90000048  }
0xb6: {  	_ =	sfence  }
0xb7: {  	s30 =	sld [smem:$0x0];
	_ =	sdelay $0x2  }
0xb8: {  	s31 =	sshll.u32 s1, $0xD;
	s1 =	sshrl.u32 s1, $0x2  }
0xb9: {  	s3 =	sand.u32 $0x4000, s31;
	s1 =	sadd.s32 s1, s30  }
0xba: {  	s0 =	sor.u32 s3, s0;
	s1 =	sshll.u32 s1, $0x11  }
0xbb: {  	s0 =	sor.u32 s1, s0  }
0xbc: {  	s0 =	sadd.s32 $0x8F2B, s0  }
0xbd: {  	[sflag:s0] =	ssyncadd.remote.s32 $0x1  }
0xbe: {  	_ =	sfence.sel $0xFFFF  }
0xbf: {  	[dreg:$0x0] =	wrdreg $0xFFFFFFFF;
	(pc) =	sbr.abs _section_cstart, $3  }
0xc0: {  	[dreg:$0x1] =	wrdreg $0xFFFFFFFF  }
0xc1: {  	_ =	task.clear_ibuf [dreg:s7], $0x2FFFF;
	_ =	strace $0x9FFFFFFF  }
0xc2: {  	(tm) =	ssettm $0x7FFFFFFF  }
0xc3: {  	_ =	shalt  }
tec
execute0_lowered:
.L_overlay_start_1:
0x0: {  	(tag) =	ssettag $0x1  }
0x1: {  	s1 =	srdreg.scid;
	s0 =	stileid.u32  }
0x2: {  	v15 =	vlaneseq.u32;
	s7 =	rddreg [dreg:$0x1];
	s8 =	simm.s32 $0x4;
	s9 =	simm.s32 $0x100  }
0x3: {  	s10 =	simm.s32 $0x18100;
	s11 =	simm.s32 $0x18200;
	s12 =	simm.s32 $0x8000;
	v0 =	vmul.u32 $0x80, v15  }
0x4: {  	s13 =	simm.s32 $0x1;
	s14 =	simm.s32 $0x80;
	s15 =	simm.s32 $0x18400  }
0x5: {  	s16 =	simm.s32 $0x10000;
	s17 =	simm.s32 $0x2;
	s4 =	sand.u32 $0x1, s1;
	v15 =	vmul.u32 $0x2, v15;
	v5 =	vor.u32 $0x800, v0;
	v6 =	vor.u32 $0x1000, v0  }
0x6: {  	s18 =	simm.s32 $0x3;
	s28 =	sshll.u32 s0, $0x8;
	s2 =	sshll.u32 s4, $0x7;
	v7 =	vor.u32 $0x1800, v0;
	v8 =	vor.u32 $0x2000, v0;
	v9 =	vor.u32 $0x2800, v0  }
0x7: {  	s19 =	simm.s32 $0x0;
	s30 =	ssub.s32 $0x2, s4;
	s1 =	sor.u32 s2, s28;
	v10 =	vor.u32 $0x3000, v0;
	v11 =	vor.u32 $0x3800, v0;
	v12 =	vor.u32 $0x4000, v0  }
0x8: {  	s4 =	sadd.s32 $0x800, s7;
	s31 =	sshrl.u32 s30, $0x1;
	v13 =	vor.u32 $0x4800, v0;
	v14 =	vor.u32 $0x5000, v0;
	v16 =	vor.u32 $0x5800, v0;
	s2 =	sor.u32 $0x3000, s1  }
0x9: {  	v17 =	vor.u32 $0x6000, v0;
	v18 =	vor.u32 $0x6800, v0;
	v19 =	vor.u32 $0x7000, v0;
	s1 =	rddreg [dreg:$0x0];
	s3 =	sshrl.u32 s2, $0x7;
	s2 =	sshll.u32 s2, $0x1  }
0xa: {  	v20 =	vor.u32 $0x7800, v0;
	v21 =	vor.u32 $0x20, v15;
	v22 =	vor.u32 $0x40, v15;
	s5 =	sor.u32 $0x30000, s3;
	s3 =	sor.u32 $0x38000, s3;
	s6 =	sadd.s32 $0xFFFFA000, s2  }
0xb: {  	v23 =	vor.u32 $0x60, v15;
	v24 =	vor.u32 $0x80, v15;
	s29 =	sadd.s32 $0xFFFFA001, s2;
	s2 =	rddreg [dreg:$0x2];
	v2 =	vmov s3;
	s3 =	simm.s32 $0x0  }
0xc: {  	v25 =	vor.u32 $0xA0, v15;
	v1 =	vmov s5;
	v3 =	vmov s6;
	s6 =	ssub.s32 s30, s31;
	s5 =	sadd.s32 $0x660, s7;
	[smem:$0x7FF] =	sst s3  }
0xd: {  	v26 =	vor.u32 $0xC0, v15;
	v27 =	vor.u32 $0xE0, v15;
	v4 =	vmov s29;
	s7 =	simm.s32 $0x18000;
	s6 =	smax.u32 s6, $0x1;
	_ =	strace $0x80000047  }
.LBB2_1:
0xe: {  	[tilespmem:s7], [sflag:$0x4] =	stream.linear.gather [hbm4b:s5+s3], $0x100, $0x38;
	[tilespmem:$0x18500] =	vst v63  }
0xf: {  	_ =	swait.ge [sflag:s8], $0x100  }
0x10: {  	[sflag:s8] =	ssyncset.done $0x0  }
0x11: {  	[sflag:s8] =	ssyncadd.s32 $0xFFFFFF00  }
0x12: {  	[tilespmem:$0x18300] =	vst v0  }
0x13: {  	[tilespmem:$0x18310] =	vst v5  }
0x14: {  	[tilespmem:$0x18320] =	vst v6  }
0x15: {  	[tilespmem:$0x18330] =	vst v7  }
0x16: {  	[tilespmem:$0x18340] =	vst v8  }
0x17: {  	[tilespmem:$0x18350] =	vst v9  }
0x18: {  	[tilespmem:$0x18360] =	vst v10  }
0x19: {  	[tilespmem:$0x18370] =	vst v11  }
0x1a: {  	[tilespmem:$0x18380] =	vst v12  }
0x1b: {  	v37 =	vld [tilespmem:$0x18000];
	[tilespmem:$0x18390] =	vst v13  }
0x1c: {  	v28 =	vld [tilespmem:$0x18010];
	[tilespmem:$0x183A0] =	vst v14  }
0x1d: {  	v29 =	vld [tilespmem:$0x18020];
	[tilespmem:$0x183B0] =	vst v16  }
0x1e: {  	v30 =	vld [tilespmem:$0x18030];
	[tilespmem:$0x183C0] =	vst v17  }
0x1f: {  	v31 =	vld [tilespmem:$0x18040];
	[tilespmem:$0x183D0] =	vst v18  }
0x20: {  	v32 =	vld [tilespmem:$0x18050];
	[tilespmem:$0x183E0] =	vst v19  }
0x21: {  	v33 =	vld [tilespmem:$0x18060];
	[tilespmem:$0x183F0] =	vst v20  }
0x22: {  	v34 =	vld [tilespmem:$0x18070];
	[tilespmem:$0x18480] =	vst v15  }
0x23: {  	v35 =	vld [tilespmem:$0x18080];
	[tilespmem:$0x18490] =	vst v21  }
0x24: {  	[tilespmem:$0x184A0] =	vst v22;
	v38 =	vld [tilespmem:$0x18300]  }
0x25: {  	[tilespmem:$0x184B0] =	vst v23;
	v39 =	vld [tilespmem:$0x18310]  }
0x26: {  	[tilespmem:$0x184C0] =	vst v24;
	v40 =	vld [tilespmem:$0x18320]  }
0x27: {  	[tilespmem:$0x184D0] =	vst v25;
	v41 =	vld [tilespmem:$0x18330]  }
0x28: {  	[tilespmem:$0x184E0] =	vst v26;
	v42 =	vld [tilespmem:$0x18340]  }
0x29: {  	[tilespmem:$0x184F0] =	vst v27;
	v43 =	vld [tilespmem:$0x18350];
	v38 =	vadd.s32 v1, v38  }
0x2a: {  	v51 =	vld [tilespmem:$0x18360];
	v50 =	vadd.s32 v1, v39;
	[tilespmem:$0x18100] =	vst v38  }
0x2b: {  	v53 =	vld [tilespmem:$0x18370];
	v52 =	vadd.s32 v1, v40;
	[tilespmem:$0x18110] =	vst v50  }
0x2c: {  	v55 =	vld [tilespmem:$0x18380];
	v54 =	vadd.s32 v1, v41;
	[tilespmem:$0x18120] =	vst v52  }
0x2d: {  	v59 =	vld [tilespmem:$0x183A0];
	v56 =	vadd.s32 v1, v42;
	[tilespmem:$0x18130] =	vst v54  }
0x2e: {  	v63 =	vld [tilespmem:$0x183C0];
	v58 =	vadd.s32 v1, v43;
	[tilespmem:$0x18140] =	vst v56  }
0x2f: {  	v44 =	vld [tilespmem:$0x183F0];
	v60 =	vadd.s32 v1, v51;
	[tilespmem:$0x18150] =	vst v58  }
0x30: {  	v57 =	vld [tilespmem:$0x18390];
	v62 =	vadd.s32 v1, v53;
	[tilespmem:$0x18160] =	vst v60  }
0x31: {  	v61 =	vld [tilespmem:$0x183B0];
	v48 =	vadd.s32 v1, v55;
	[tilespmem:$0x18170] =	vst v62  }
0x32: {  	v49 =	vld [tilespmem:$0x183D0];
	v43 =	vadd.s32 v1, v59;
	[tilespmem:$0x18180] =	vst v48  }
0x33: {  	v51 =	vld [tilespmem:$0x183E0];
	v53 =	vadd.s32 v1, v63;
	[tilespmem:$0x181A0] =	vst v43  }
0x34: {  	v36 =	vld [tilespmem:$0x18090];
	v44 =	vadd.s32 v1, v44;
	[tilespmem:$0x181C0] =	vst v53  }
0x35: {  	v39 =	vld [tilespmem:$0x180B0];
	v50 =	vadd.s32 v1, v57;
	[tilespmem:$0x181F0] =	vst v44  }
0x36: {  	v40 =	vld [tilespmem:$0x180C0];
	v52 =	vadd.s32 v1, v61;
	[tilespmem:$0x18190] =	vst v50  }
0x37: {  	v41 =	vld [tilespmem:$0x180D0];
	v54 =	vadd.s32 v1, v49;
	[tilespmem:$0x181B0] =	vst v52  }
0x38: {  	v42 =	vld [tilespmem:$0x180E0];
	[tilespmem:$0x181D0] =	vst v54;
	v55 =	vadd.s32 v1, v51  }
0x39: {  	v38 =	vld [tilespmem:$0x180A0];
	[tilespmem:$0x181E0] =	vst v55  }
0x3a: {  	v43 =	vld [tilespmem:$0x180F0];
	[tilespmem:s3], [sflag:$0x1] =	stream.indirect.gather [hbm4b:s1+s9], $0x80, s10, s9, $0xb8  }
0x3b: {  	v56 =	vld [tilespmem:$0x18300]  }
0x3c: {  	v45 =	vld [tilespmem:$0x18310]  }
0x3d: {  	v46 =	vld [tilespmem:$0x18320]  }
0x3e: {  	v47 =	vld [tilespmem:$0x18330]  }
0x3f: {  	v48 =	vld [tilespmem:$0x18340]  }
0x40: {  	v49 =	vld [tilespmem:$0x18350];
	v44 =	vadd.s32 v2, v56  }
0x41: {  	v58 =	vld [tilespmem:$0x18360];
	v57 =	vadd.s32 v2, v45;
	[tilespmem:$0x18200] =	vst v44  }
0x42: {  	v60 =	vld [tilespmem:$0x18370];
	v59 =	vadd.s32 v2, v46;
	[tilespmem:$0x18210] =	vst v57  }
0x43: {  	v62 =	vld [tilespmem:$0x18380];
	v61 =	vadd.s32 v2, v47;
	[tilespmem:$0x18220] =	vst v59  }
0x44: {  	v52 =	vld [tilespmem:$0x18390];
	v63 =	vadd.s32 v2, v48;
	[tilespmem:$0x18230] =	vst v61  }
0x45: {  	v54 =	vld [tilespmem:$0x183A0];
	v53 =	vadd.s32 v2, v49;
	[tilespmem:$0x18240] =	vst v63  }
0x46: {  	v55 =	vadd.s32 v2, v58;
	v56 =	vld [tilespmem:$0x183B0];
	[tilespmem:$0x18250] =	vst v53  }
0x47: {  	v58 =	vld [tilespmem:$0x183C0];
	[tilespmem:$0x18260] =	vst v55;
	v57 =	vadd.s32 v2, v60  }
0x48: {  	v59 =	vadd.s32 v2, v62;
	v60 =	vld [tilespmem:$0x183D0];
	[tilespmem:$0x18270] =	vst v57  }
0x49: {  	v61 =	vadd.s32 v2, v52;
	v62 =	vld [tilespmem:$0x183E0];
	[tilespmem:$0x18280] =	vst v59  }
0x4a: {  	v63 =	vadd.s32 v2, v54;
	v52 =	vld [tilespmem:$0x183F0];
	[tilespmem:$0x18290] =	vst v61  }
0x4b: {  	[tilespmem:$0x182A0] =	vst v63;
	v53 =	vadd.s32 v2, v56  }
0x4c: {  	v55 =	vmov s3;
	v54 =	vadd.s32 v2, v58;
	[tilespmem:$0x182B0] =	vst v53  }
0x4d: {  	v45 =	vand.u32 $0x7F, v55;
	[tilespmem:$0x182C0] =	vst v54;
	v56 =	vadd.s32 v2, v60  }
0x4e: {  	v45 =	vbroadcast v45, $0x0;
	v57 =	vadd.s32 v2, v62;
	[tilespmem:$0x182D0] =	vst v56  }
0x4f: {  	v58 =	vadd.s32 v2, v52;
	[tilespmem:$0x182E0] =	vst v57  }
0x50: {  	v59 =	vor.u32 v0, v45;
	[tilespmem:$0x182F0] =	vst v58  }
0x51: {  	v60 =	vor.u32 v5, v45;
	[tilespmem:s12], [sflag:$0x2] =	stream.indirect.gather [hbm4b:s1+s9], $0x80, s11, s9, $0xb8;
	[tilespmem:$0x18500] =	vst v63  }
0x52: {  	v61 =	vor.u32 v6, v45;
	_ =	swait.ge [sflag:s13], $0x8000  }
0x53: {  	v62 =	vor.u32 v7, v45;
	[sflag:s13] =	ssyncset.done $0x0  }
0x54: {  	v63 =	vor.u32 v8, v45;
	[sflag:s13] =	ssyncadd.s32 $0xFFFF8000  }
0x55: {  	v50 =	vor.u32 v9, v45;
	v44 =	vld.idx.msk [tilespmem:v59+s3+$0x0], $0xffff  }
0x56: {  	v51 =	vor.u32 v10, v45;
	v46 =	vld.idx.msk [tilespmem:v60+s3+$0x0], $0xffff  }
0x57: {  	v52 =	vor.u32 v20, v45;
	v47 =	vld.idx.msk [tilespmem:v61+s3+$0x0], $0xffff  }
0x58: {  	v53 =	vor.u32 v11, v45;
	v48 =	vld.idx.msk [tilespmem:v62+s3+$0x0], $0xffff  }
0x59: {  	v54 =	vor.u32 v12, v45;
	v49 =	vld.idx.msk [tilespmem:v63+s3+$0x0], $0xffff  }
0x5a: {  	v55 =	vor.u32 v13, v45;
	v50 =	vld.idx.msk [tilespmem:v50+s3+$0x0], $0xffff  }
0x5b: {  	v56 =	vor.u32 v14, v45;
	v51 =	vld.idx.msk [tilespmem:v51+s3+$0x0], $0xffff  }
0x5c: {  	v57 =	vor.u32 v16, v45;
	v52 =	vld.idx.msk [tilespmem:v52+s3+$0x0], $0xffff  }
0x5d: {  	v58 =	vor.u32 v17, v45;
	v53 =	vld.idx.msk [tilespmem:v53+s3+$0x0], $0xffff  }
0x5e: {  	v54 =	vld.idx.msk [tilespmem:v54+s3+$0x0], $0xffff;
	v59 =	vor.u32 v18, v45  }
0x5f: {  	v55 =	vld.idx.msk [tilespmem:v55+s3+$0x0], $0xffff;
	v45 =	vor.u32 v19, v45  }
0x60: {  	v56 =	vld.idx.msk [tilespmem:v56+s3+$0x0], $0xffff  }
0x61: {  	v57 =	vld.idx.msk [tilespmem:v57+s3+$0x0], $0xffff  }
0x62: {  	v58 =	vld.idx.msk [tilespmem:v58+s3+$0x0], $0xffff;
	v52 =	vadd.f32 v52, v43  }
0x63: {  	s20 =	simm.s32 $0x10080;
	v59 =	vld.idx.msk [tilespmem:v59+s3+$0x0], $0xffff;
	v44 =	vadd.f32 v44, v37  }
0x64: {  	v45 =	vld.idx.msk [tilespmem:v45+s3+$0x0], $0xffff;
	v46 =	vadd.f32 v46, v28;
	[tilespmem:s20+$0x70] =	vst v52  }
0x65: {  	v47 =	vadd.f32 v47, v29;
	[tilespmem:s20+$0xFFFFFF80] =	vst v44  }
0x66: {  	v48 =	vadd.f32 v48, v30;
	[tilespmem:s20+$0xFFFFFF90] =	vst v46  }
0x67: {  	v49 =	vadd.f32 v49, v31;
	[tilespmem:s20+$0xFFFFFFA0] =	vst v47  }
0x68: {  	v50 =	vadd.f32 v50, v32;
	[tilespmem:s20+$0xFFFFFFB0] =	vst v48  }
0x69: {  	v53 =	vadd.f32 v53, v34;
	[tilespmem:s20+$0xFFFFFFC0] =	vst v49  }
0x6a: {  	s21 =	simm.s32 $0x1;
	v54 =	vadd.f32 v54, v35;
	[tilespmem:s20+$0xFFFFFFD0] =	vst v50  }
0x6b: {  	v60 =	vmov s21;
	v55 =	vadd.f32 v55, v36;
	[tilespmem:s20+$0xFFFFFFF0] =	vst v53  }
0x6c: {  	v56 =	vadd.f32 v56, v38;
	[tilespmem:s20+$0x0] =	vst v54;
	v48 =	vand.u32 $0x7F, v60  }
0x6d: {  	v61 =	vadd.f32 v57, v39;
	[tilespmem:s20+$0x10] =	vst v55;
	v44 =	vbroadcast v48, $0x0  }
0x6e: {  	v62 =	vadd.f32 v58, v40;
	[tilespmem:s20+$0x20] =	vst v56  }
0x6f: {  	v52 =	vadd.f32 v51, v33;
	[tilespmem:s20+$0x30] =	vst v61;
	v48 =	vor.u32 v0, v44  }
0x70: {  	[tilespmem:s20+$0x40] =	vst v62;
	v63 =	vadd.f32 v59, v41;
	v49 =	vor.u32 v5, v44  }
0x71: {  	[tilespmem:s20+$0xFFFFFFE0] =	vst v52;
	v45 =	vadd.f32 v45, v42;
	v47 =	vor.u32 v6, v44  }
0x72: {  	s21 =	simm.s32 $0x2;
	v46 =	vor.u32 v7, v44;
	[tilespmem:s20+$0x50] =	vst v63  }
.LBB2_2:
0x73: {  	p0 =	sne.s32 s21, $0x7F;
	v50 =	vor.u32 v8, v44;
	[tilespmem:s20+$0x60] =	vst v45  }
0x74: {  	v45 =	vld.idx.msk [tilespmem:v48+s3+$0x0], $0xffff;
	v48 =	vor.u32 v9, v44  }
0x75: {  	v51 =	vor.u32 v10, v44;
	v49 =	vld.idx.msk [tilespmem:v49+s3+$0x0], $0xffff  }
0x76: {  	v52 =	vor.u32 v20, v44;
	v47 =	vld.idx.msk [tilespmem:v47+s3+$0x0], $0xffff  }
0x77: {  	v53 =	vor.u32 v11, v44;
	v46 =	vld.idx.msk [tilespmem:v46+s3+$0x0], $0xffff  }
0x78: {  	v54 =	vor.u32 v12, v44;
	v50 =	vld.idx.msk [tilespmem:v50+s3+$0x0], $0xffff  }
0x79: {  	v55 =	vor.u32 v13, v44;
	v48 =	vld.idx.msk [tilespmem:v48+s3+$0x0], $0xffff  }
0x7a: {  	v56 =	vor.u32 v14, v44;
	v45 =	vadd.f32 v45, v37;
	v51 =	vld.idx.msk [tilespmem:v51+s3+$0x0], $0xffff  }
0x7b: {  	v57 =	vor.u32 v16, v44;
	v49 =	vadd.f32 v49, v28;
	v52 =	vld.idx.msk [tilespmem:v52+s3+$0x0], $0xffff  }
0x7c: {  	v58 =	vor.u32 v17, v44;
	v47 =	vadd.f32 v47, v29;
	v53 =	vld.idx.msk [tilespmem:v53+s3+$0x0], $0xffff  }
0x7d: {  	v59 =	vor.u32 v18, v44;
	v46 =	vadd.f32 v46, v30;
	v54 =	vld.idx.msk [tilespmem:v54+s3+$0x0], $0xffff  }
0x7e: {  	v44 =	vor.u32 v19, v44;
	v50 =	vadd.f32 v50, v31;
	v55 =	vld.idx.msk [tilespmem:v55+s3+$0x0], $0xffff  }
0x7f: {  	v48 =	vadd.f32 v48, v32;
	v56 =	vld.idx.msk [tilespmem:v56+s3+$0x0], $0xffff  }
0x80: {  	v51 =	vadd.f32 v51, v33;
	v57 =	vld.idx.msk [tilespmem:v57+s3+$0x0], $0xffff  }
0x81: {  	v52 =	vadd.f32 v52, v43;
	v58 =	vld.idx.msk [tilespmem:v58+s3+$0x0], $0xffff  }
0x82: {  	s20 =	sadd.s32 $0x100, s20;
	v53 =	vadd.f32 v53, v34;
	v59 =	vld.idx.msk [tilespmem:v59+s3+$0x0], $0xffff  }
0x83: {  	v54 =	vadd.f32 v54, v35;
	v44 =	vld.idx.msk [tilespmem:v44+s3+$0x0], $0xffff;
	[tilespmem:s20+$0x70] =	vst v52  }
0x84: {  	v52 =	vadd.f32 v55, v36;
	[tilespmem:s20+$0xFFFFFF80] =	vst v45  }
0x85: {  	v55 =	vadd.f32 v56, v38;
	[tilespmem:s20+$0xFFFFFF90] =	vst v49  }
0x86: {  	v56 =	vadd.f32 v57, v39;
	[tilespmem:s20+$0xFFFFFFA0] =	vst v47  }
0x87: {  	v57 =	vadd.f32 v58, v40;
	[tilespmem:s20+$0xFFFFFFB0] =	vst v46  }
0x88: {  	v58 =	vadd.f32 v59, v41;
	[tilespmem:s20+$0xFFFFFFC0] =	vst v50  }
0x89: {  	v45 =	vadd.f32 v44, v42;
	[tilespmem:s20+$0xFFFFFFD0] =	vst v48  }
0x8a: {  	v44 =	vmov s21;
	[tilespmem:s20+$0xFFFFFFE0] =	vst v51  }
0x8b: {  	v44 =	vand.u32 $0x7F, v44;
	[tilespmem:s20+$0xFFFFFFF0] =	vst v53  }
0x8c: {  	v44 =	vbroadcast v44, $0x0;
	[tilespmem:s20+$0x0] =	vst v54  }
.Ltmp0:
0x8d: {  	[tilespmem:s20+$0x10] =	vst v52;
	(pc) =	sbr.rel @p0 .LBB2_2-.Ltmp0, $4  }
0x8e: {  	v48 =	vor.u32 v0, v44;
	[tilespmem:s20+$0x20] =	vst v55  }
0x8f: {  	v49 =	vor.u32 v5, v44;
	[tilespmem:s20+$0x30] =	vst v56  }
0x90: {  	v47 =	vor.u32 v6, v44;
	[tilespmem:s20+$0x40] =	vst v57  }
0x91: {  	s21 =	sadd.s32 $0x1, s21;
	v46 =	vor.u32 v7, v44;
	[tilespmem:s20+$0x50] =	vst v58  }
0x92: {  	_ =	sdelay $0x2  }
0x93: {  	v50 =	vor.u32 v8, v44;
	[tilespmem:s20+$0x60] =	vst v45  }
0x94: {  	v60 =	vor.u32 v9, v44;
	v45 =	vld.idx.msk [tilespmem:v48+s3+$0x0], $0xffff  }
0x95: {  	v51 =	vor.u32 v10, v44;
	v49 =	vld.idx.msk [tilespmem:v49+s3+$0x0], $0xffff  }
0x96: {  	v52 =	vor.u32 v20, v44;
	v47 =	vld.idx.msk [tilespmem:v47+s3+$0x0], $0xffff  }
0x97: {  	v53 =	vor.u32 v11, v44;
	v46 =	vld.idx.msk [tilespmem:v46+s3+$0x0], $0xffff  }
0x98: {  	v54 =	vor.u32 v12, v44;
	v50 =	vld.idx.msk [tilespmem:v50+s3+$0x0], $0xffff  }
0x99: {  	v55 =	vor.u32 v13, v44;
	v48 =	vld.idx.msk [tilespmem:v60+s3+$0x0], $0xffff  }
0x9a: {  	v56 =	vor.u32 v14, v44;
	v51 =	vld.idx.msk [tilespmem:v51+s3+$0x0], $0xffff  }
0x9b: {  	v57 =	vor.u32 v16, v44;
	v52 =	vld.idx.msk [tilespmem:v52+s3+$0x0], $0xffff  }
0x9c: {  	v58 =	vor.u32 v17, v44;
	v53 =	vld.idx.msk [tilespmem:v53+s3+$0x0], $0xffff  }
0x9d: {  	v59 =	vor.u32 v18, v44;
	v54 =	vld.idx.msk [tilespmem:v54+s3+$0x0], $0xffff  }
0x9e: {  	v61 =	vor.u32 v19, v44;
	v55 =	vld.idx.msk [tilespmem:v55+s3+$0x0], $0xffff  }
0x9f: {  	v56 =	vld.idx.msk [tilespmem:v56+s3+$0x0], $0xffff  }
0xa0: {  	v57 =	vld.idx.msk [tilespmem:v57+s3+$0x0], $0xffff  }
0xa1: {  	v58 =	vld.idx.msk [tilespmem:v58+s3+$0x0], $0xffff;
	v45 =	vadd.f32 v45, v37  }
0xa2: {  	s30 =	sadd.s32 $0x100, s20;
	v59 =	vld.idx.msk [tilespmem:v59+s3+$0x0], $0xffff;
	v49 =	vadd.f32 v49, v28  }
0xa3: {  	v44 =	vld.idx.msk [tilespmem:v61+s3+$0x0], $0xffff;
	v47 =	vadd.f32 v47, v29;
	[tilespmem:s30+$0xFFFFFF80] =	vst v45  }
0xa4: {  	v62 =	vadd.f32 v46, v30;
	[tilespmem:s30+$0xFFFFFF90] =	vst v49  }
0xa5: {  	[tilespmem:s30+$0xFFFFFFA0] =	vst v47;
	v52 =	vadd.f32 v52, v43  }
0xa6: {  	[tilespmem:s30+$0xFFFFFFB0] =	vst v62;
	v63 =	vadd.f32 v50, v31  }
0xa7: {  	v48 =	vadd.f32 v48, v32;
	[tilespmem:s30+$0x70] =	vst v52  }
0xa8: {  	v49 =	vadd.f32 v51, v33;
	[tilespmem:s30+$0xFFFFFFC0] =	vst v63  }
0xa9: {  	v50 =	vadd.f32 v53, v34;
	[tilespmem:s30+$0xFFFFFFD0] =	vst v48  }
0xaa: {  	v51 =	vadd.f32 v54, v35;
	[tilespmem:s30+$0xFFFFFFE0] =	vst v49  }
0xab: {  	v53 =	vadd.f32 v56, v38;
	[tilespmem:s30+$0xFFFFFFF0] =	vst v50  }
0xac: {  	v54 =	vadd.f32 v57, v39;
	[tilespmem:s30+$0x0] =	vst v51  }
0xad: {  	v56 =	vadd.f32 v59, v41;
	[tilespmem:s30+$0x20] =	vst v53  }
0xae: {  	v44 =	vadd.f32 v44, v42;
	[tilespmem:s30+$0x30] =	vst v54  }
0xaf: {  	v52 =	vadd.f32 v55, v36;
	[tilespmem:s30+$0x50] =	vst v56  }
0xb0: {  	v55 =	vadd.f32 v58, v40;
	[tilespmem:s30+$0x60] =	vst v44  }
0xb1: {  	[tilespmem:s30+$0x10] =	vst v52  }
0xb2: {  	[tilespmem:s30+$0x40] =	vst v55  }
0xb3: {  	v44 =	vld [tilespmem:$0x18480]  }
0xb4: {  	v45 =	vld [tilespmem:$0x18490]  }
0xb5: {  	v46 =	vld [tilespmem:$0x184A0]  }
0xb6: {  	v47 =	vld [tilespmem:$0x184B0]  }
0xb7: {  	v57 =	vld [tilespmem:$0x184C0]  }
0xb8: {  	v49 =	vld [tilespmem:$0x184D0];
	v44 =	vadd.s32 v3, v44  }
0xb9: {  	v59 =	vld [tilespmem:$0x184E0];
	v58 =	vadd.s32 v3, v45;
	[tilespmem:$0x18400] =	vst v44  }
0xba: {  	v61 =	vld [tilespmem:$0x184F0];
	v60 =	vadd.s32 v3, v46;
	[tilespmem:$0x18410] =	vst v58  }
0xbb: {  	v62 =	vadd.s32 v3, v47;
	[tilespmem:$0x18420] =	vst v60  }
0xbc: {  	v63 =	vadd.s32 v3, v57;
	[tilespmem:$0x18430] =	vst v62  }
0xbd: {  	v48 =	vadd.s32 v3, v49;
	[tilespmem:$0x18440] =	vst v63  }
0xbe: {  	s31 =	simm.s32 $0x0;
	v49 =	vadd.s32 v3, v59;
	[tilespmem:$0x18450] =	vst v48  }
0xbf: {  	v51 =	vmov s31;
	v50 =	vadd.s32 v3, v61;
	[tilespmem:$0x18460] =	vst v49  }
0xc0: {  	v52 =	vand.u32 $0x7F, v51;
	[tilespmem:$0x18470] =	vst v50  }
0xc1: {  	v44 =	vbroadcast v52, $0x0;
	[hbm4b:s4+s14] =	stream.indirect.scatter [tilespmem:s16], [sflag:$0x3], $0x100, s15, s14, $0xb8;
	[tilespmem:$0x18500] =	vst v63  }
0xc2: {  	_ =	swait.ge [sflag:s17], $0x8000  }
0xc3: {  	v53 =	vor.u32 v0, v44;
	[sflag:s17] =	ssyncset.done $0x0  }
0xc4: {  	v54 =	vor.u32 v5, v44;
	[sflag:s17] =	ssyncadd.s32 $0xFFFF8000  }
0xc5: {  	v55 =	vor.u32 v6, v44;
	_ =	swait.ge [sflag:s18], $0x8000  }
0xc6: {  	v56 =	vor.u32 v7, v44;
	[sflag:s18] =	ssyncset.done $0x0  }
0xc7: {  	v57 =	vor.u32 v8, v44;
	[sflag:s18] =	ssyncadd.s32 $0xFFFF8000  }
0xc8: {  	v58 =	vor.u32 v9, v44;
	v45 =	vld.idx.msk [tilespmem:v53+s12+$0x0], $0xffff  }
0xc9: {  	v59 =	vor.u32 v10, v44;
	v46 =	vld.idx.msk [tilespmem:v54+s12+$0x0], $0xffff  }
0xca: {  	v52 =	vor.u32 v20, v44;
	v47 =	vld.idx.msk [tilespmem:v55+s12+$0x0], $0xffff  }
0xcb: {  	v60 =	vor.u32 v11, v44;
	v48 =	vld.idx.msk [tilespmem:v56+s12+$0x0], $0xffff  }
0xcc: {  	v61 =	vor.u32 v12, v44;
	v49 =	vld.idx.msk [tilespmem:v57+s12+$0x0], $0xffff  }
0xcd: {  	v62 =	vor.u32 v14, v44;
	v50 =	vld.idx.msk [tilespmem:v58+s12+$0x0], $0xffff  }
0xce: {  	v63 =	vor.u32 v16, v44;
	v51 =	vld.idx.msk [tilespmem:v59+s12+$0x0], $0xffff  }
0xcf: {  	v55 =	vor.u32 v13, v44;
	v52 =	vld.idx.msk [tilespmem:v52+s12+$0x0], $0xffff  }
0xd0: {  	v53 =	vld.idx.msk [tilespmem:v60+s12+$0x0], $0xffff;
	v60 =	vor.u32 v17, v44  }
0xd1: {  	v54 =	vld.idx.msk [tilespmem:v61+s12+$0x0], $0xffff;
	v61 =	vor.u32 v18, v44  }
0xd2: {  	v44 =	vor.u32 v19, v44;
	v56 =	vld.idx.msk [tilespmem:v62+s12+$0x0], $0xffff  }
0xd3: {  	v57 =	vld.idx.msk [tilespmem:v63+s12+$0x0], $0xffff  }
0xd4: {  	v55 =	vld.idx.msk [tilespmem:v55+s12+$0x0], $0xffff  }
0xd5: {  	v58 =	vld.idx.msk [tilespmem:v60+s12+$0x0], $0xffff;
	v52 =	vadd.f32 v52, v43  }
0xd6: {  	s20 =	simm.s32 $0x10080;
	v59 =	vld.idx.msk [tilespmem:v61+s12+$0x0], $0xffff;
	v45 =	vadd.f32 v45, v37  }
0xd7: {  	v60 =	vld.idx.msk [tilespmem:v44+s12+$0x0], $0xffff;
	v62 =	vadd.f32 v46, v28;
	[tilespmem:s20+$0x70] =	vst v52  }
0xd8: {  	v63 =	vadd.f32 v47, v29;
	[tilespmem:s20+$0xFFFFFF80] =	vst v45  }
0xd9: {  	v48 =	vadd.f32 v48, v30;
	[tilespmem:s20+$0xFFFFFF90] =	vst v62  }
0xda: {  	v49 =	vadd.f32 v49, v31;
	[tilespmem:s20+$0xFFFFFFA0] =	vst v63  }
0xdb: {  	v50 =	vadd.f32 v50, v32;
	[tilespmem:s20+$0xFFFFFFB0] =	vst v48  }
0xdc: {  	v51 =	vadd.f32 v51, v33;
	v61 =	vadd.f32 v57, v39;
	[tilespmem:s20+$0xFFFFFFC0] =	vst v49  }
0xdd: {  	s21 =	simm.s32 $0x1;
	v52 =	vadd.f32 v53, v34;
	[tilespmem:s20+$0xFFFFFFD0] =	vst v50;
	v53 =	vadd.f32 v54, v35  }
0xde: {  	[tilespmem:s20+$0xFFFFFFE0] =	vst v51;
	v54 =	vadd.f32 v55, v36;
	v55 =	vadd.f32 v56, v38;
	v56 =	vmov s21  }
0xdf: {  	[tilespmem:s20+$0x30] =	vst v61;
	v44 =	vand.u32 $0x7F, v56  }
0xe0: {  	[tilespmem:s20+$0xFFFFFFF0] =	vst v52;
	v44 =	vbroadcast v44, $0x0  }
0xe1: {  	[tilespmem:s20+$0x0] =	vst v53  }
0xe2: {  	v62 =	vadd.f32 v58, v40;
	[tilespmem:s20+$0x10] =	vst v54;
	v48 =	vor.u32 v0, v44  }
0xe3: {  	v63 =	vadd.f32 v59, v41;
	[tilespmem:s20+$0x20] =	vst v55;
	v49 =	vor.u32 v5, v44  }
0xe4: {  	v45 =	vadd.f32 v60, v42;
	[tilespmem:s20+$0x40] =	vst v62;
	v47 =	vor.u32 v6, v44  }
0xe5: {  	s21 =	simm.s32 $0x2;
	[tilespmem:s20+$0x50] =	vst v63;
	v46 =	vor.u32 v7, v44  }
.LBB2_4:
0xe6: {  	p0 =	sne.s32 s21, $0x7F;
	v50 =	vor.u32 v8, v44;
	[tilespmem:s20+$0x60] =	vst v45  }
0xe7: {  	v45 =	vld.idx.msk [tilespmem:v48+s12+$0x0], $0xffff;
	v48 =	vor.u32 v9, v44  }
0xe8: {  	v51 =	vor.u32 v10, v44;
	v49 =	vld.idx.msk [tilespmem:v49+s12+$0x0], $0xffff  }
0xe9: {  	v52 =	vor.u32 v20, v44;
	v47 =	vld.idx.msk [tilespmem:v47+s12+$0x0], $0xffff  }
0xea: {  	v53 =	vor.u32 v11, v44;
	v46 =	vld.idx.msk [tilespmem:v46+s12+$0x0], $0xffff  }
0xeb: {  	v54 =	vor.u32 v12, v44;
	v50 =	vld.idx.msk [tilespmem:v50+s12+$0x0], $0xffff  }
0xec: {  	v55 =	vor.u32 v13, v44;
	v48 =	vld.idx.msk [tilespmem:v48+s12+$0x0], $0xffff  }
0xed: {  	v56 =	vor.u32 v14, v44;
	v45 =	vadd.f32 v45, v37;
	v51 =	vld.idx.msk [tilespmem:v51+s12+$0x0], $0xffff  }
0xee: {  	v57 =	vor.u32 v16, v44;
	v49 =	vadd.f32 v49, v28;
	v52 =	vld.idx.msk [tilespmem:v52+s12+$0x0], $0xffff  }
0xef: {  	v58 =	vor.u32 v17, v44;
	v47 =	vadd.f32 v47, v29;
	v53 =	vld.idx.msk [tilespmem:v53+s12+$0x0], $0xffff  }
0xf0: {  	v59 =	vor.u32 v18, v44;
	v46 =	vadd.f32 v46, v30;
	v54 =	vld.idx.msk [tilespmem:v54+s12+$0x0], $0xffff  }
0xf1: {  	v44 =	vor.u32 v19, v44;
	v50 =	vadd.f32 v50, v31;
	v55 =	vld.idx.msk [tilespmem:v55+s12+$0x0], $0xffff  }
0xf2: {  	v48 =	vadd.f32 v48, v32;
	v56 =	vld.idx.msk [tilespmem:v56+s12+$0x0], $0xffff  }
0xf3: {  	v51 =	vadd.f32 v51, v33;
	v57 =	vld.idx.msk [tilespmem:v57+s12+$0x0], $0xffff  }
0xf4: {  	v52 =	vadd.f32 v52, v43;
	v58 =	vld.idx.msk [tilespmem:v58+s12+$0x0], $0xffff  }
0xf5: {  	s20 =	sadd.s32 $0x100, s20;
	v53 =	vadd.f32 v53, v34;
	v59 =	vld.idx.msk [tilespmem:v59+s12+$0x0], $0xffff  }
0xf6: {  	v54 =	vadd.f32 v54, v35;
	v44 =	vld.idx.msk [tilespmem:v44+s12+$0x0], $0xffff;
	[tilespmem:s20+$0x70] =	vst v52  }
0xf7: {  	v52 =	vadd.f32 v55, v36;
	[tilespmem:s20+$0xFFFFFF80] =	vst v45  }
0xf8: {  	v55 =	vadd.f32 v56, v38;
	[tilespmem:s20+$0xFFFFFF90] =	vst v49  }
0xf9: {  	v56 =	vadd.f32 v57, v39;
	[tilespmem:s20+$0xFFFFFFA0] =	vst v47  }
0xfa: {  	v57 =	vadd.f32 v58, v40;
	[tilespmem:s20+$0xFFFFFFB0] =	vst v46  }
0xfb: {  	v58 =	vadd.f32 v59, v41;
	[tilespmem:s20+$0xFFFFFFC0] =	vst v50  }
0xfc: {  	v45 =	vadd.f32 v44, v42;
	[tilespmem:s20+$0xFFFFFFD0] =	vst v48  }
0xfd: {  	v44 =	vmov s21;
	[tilespmem:s20+$0xFFFFFFE0] =	vst v51  }
0xfe: {  	v44 =	vand.u32 $0x7F, v44;
	[tilespmem:s20+$0xFFFFFFF0] =	vst v53  }
0xff: {  	v44 =	vbroadcast v44, $0x0;
	[tilespmem:s20+$0x0] =	vst v54  }
.Ltmp1:
0x100: {  	[tilespmem:s20+$0x10] =	vst v52;
	(pc) =	sbr.rel @p0 .LBB2_4-.Ltmp1, $4  }
0x101: {  	v48 =	vor.u32 v0, v44;
	[tilespmem:s20+$0x20] =	vst v55  }
0x102: {  	v49 =	vor.u32 v5, v44;
	[tilespmem:s20+$0x30] =	vst v56  }
0x103: {  	v47 =	vor.u32 v6, v44;
	[tilespmem:s20+$0x40] =	vst v57  }
0x104: {  	s21 =	sadd.s32 $0x1, s21;
	v46 =	vor.u32 v7, v44;
	[tilespmem:s20+$0x50] =	vst v58  }
0x105: {  	_ =	sdelay $0x2  }
0x106: {  	v50 =	vor.u32 v8, v44;
	[tilespmem:s20+$0x60] =	vst v45  }
0x107: {  	v61 =	vor.u32 v9, v44;
	v45 =	vld.idx.msk [tilespmem:v48+s12+$0x0], $0xffff  }
0x108: {  	v51 =	vor.u32 v10, v44;
	v49 =	vld.idx.msk [tilespmem:v49+s12+$0x0], $0xffff  }
0x109: {  	v52 =	vor.u32 v20, v44;
	v47 =	vld.idx.msk [tilespmem:v47+s12+$0x0], $0xffff  }
0x10a: {  	v53 =	vor.u32 v11, v44;
	v46 =	vld.idx.msk [tilespmem:v46+s12+$0x0], $0xffff  }
0x10b: {  	v54 =	vor.u32 v12, v44;
	v50 =	vld.idx.msk [tilespmem:v50+s12+$0x0], $0xffff  }
0x10c: {  	v55 =	vor.u32 v13, v44;
	v48 =	vld.idx.msk [tilespmem:v61+s12+$0x0], $0xffff  }
0x10d: {  	v56 =	vor.u32 v14, v44;
	v51 =	vld.idx.msk [tilespmem:v51+s12+$0x0], $0xffff  }
0x10e: {  	v57 =	vor.u32 v16, v44;
	v52 =	vld.idx.msk [tilespmem:v52+s12+$0x0], $0xffff  }
0x10f: {  	v58 =	vor.u32 v17, v44;
	v53 =	vld.idx.msk [tilespmem:v53+s12+$0x0], $0xffff  }
0x110: {  	v59 =	vor.u32 v18, v44;
	v54 =	vld.idx.msk [tilespmem:v54+s12+$0x0], $0xffff  }
0x111: {  	v62 =	vor.u32 v19, v44;
	v55 =	vld.idx.msk [tilespmem:v55+s12+$0x0], $0xffff  }
0x112: {  	v56 =	vld.idx.msk [tilespmem:v56+s12+$0x0], $0xffff  }
0x113: {  	v57 =	vld.idx.msk [tilespmem:v57+s12+$0x0], $0xffff  }
0x114: {  	v58 =	vld.idx.msk [tilespmem:v58+s12+$0x0], $0xffff;
	v37 =	vadd.f32 v45, v37  }
0x115: {  	s31 =	sadd.s32 $0x100, s20;
	v63 =	vld.idx.msk [tilespmem:v59+s12+$0x0], $0xffff;
	v28 =	vadd.f32 v49, v28  }
0x116: {  	v44 =	vld.idx.msk [tilespmem:v62+s12+$0x0], $0xffff;
	v29 =	vadd.f32 v47, v29;
	[tilespmem:s31+$0xFFFFFF80] =	vst v37  }
0x117: {  	v30 =	vadd.f32 v46, v30;
	[tilespmem:s31+$0xFFFFFF90] =	vst v28  }
0x118: {  	[tilespmem:s31+$0xFFFFFFA0] =	vst v29;
	v43 =	vadd.f32 v52, v43  }
0x119: {  	[tilespmem:s31+$0xFFFFFFB0] =	vst v30;
	v28 =	vadd.f32 v50, v31  }
0x11a: {  	v29 =	vadd.f32 v48, v32;
	[tilespmem:s31+$0x70] =	vst v43  }
0x11b: {  	v51 =	vadd.f32 v51, v33;
	[tilespmem:s31+$0xFFFFFFC0] =	vst v28  }
0x11c: {  	v55 =	vadd.f32 v55, v36;
	[tilespmem:s31+$0xFFFFFFD0] =	vst v29  }
0x11d: {  	v59 =	vadd.f32 v58, v40;
	[tilespmem:s31+$0xFFFFFFE0] =	vst v51  }
0x11e: {  	v28 =	vadd.f32 v53, v34;
	[tilespmem:s31+$0x10] =	vst v55  }
0x11f: {  	v29 =	vadd.f32 v54, v35;
	[tilespmem:s31+$0x40] =	vst v59  }
0x120: {  	[tilespmem:s31+$0xFFFFFFF0] =	vst v28;
	v28 =	vadd.f32 v56, v38  }
0x121: {  	[tilespmem:s31+$0x0] =	vst v29;
	v29 =	vadd.f32 v57, v39  }
0x122: {  	[tilespmem:s31+$0x20] =	vst v28;
	v28 =	vadd.f32 v63, v41  }
0x123: {  	[tilespmem:s31+$0x30] =	vst v29;
	v29 =	vadd.f32 v44, v42  }
0x124: {  	[tilespmem:s31+$0x50] =	vst v28  }
0x125: {  	[tilespmem:s31+$0x60] =	vst v29  }
0x126: {  	v28 =	vld [tilespmem:$0x18480]  }
0x127: {  	v29 =	vld [tilespmem:$0x18490]  }
0x128: {  	v30 =	vld [tilespmem:$0x184A0]  }
0x129: {  	v60 =	vld [tilespmem:$0x184B0]  }
0x12a: {  	v61 =	vld [tilespmem:$0x184C0]  }
0x12b: {  	v62 =	vld [tilespmem:$0x184D0];
	v28 =	vadd.s32 v4, v28  }
0x12c: {  	[tilespmem:$0x18400] =	vst v28;
	v28 =	vadd.s32 v4, v29;
	v29 =	vld [tilespmem:$0x184E0]  }
0x12d: {  	v63 =	vld [tilespmem:$0x184F0];
	[tilespmem:$0x18410] =	vst v28;
	v28 =	vadd.s32 v4, v30  }
0x12e: {  	[tilespmem:$0x18420] =	vst v28;
	v28 =	vadd.s32 v4, v60  }
0x12f: {  	[tilespmem:$0x18430] =	vst v28;
	v28 =	vadd.s32 v4, v61  }
0x130: {  	[tilespmem:$0x18440] =	vst v28;
	v28 =	vadd.s32 v4, v62  }
0x131: {  	s19 =	sadd.s32 $0x1, s19;
	[tilespmem:$0x18450] =	vst v28;
	v28 =	vadd.s32 v4, v29  }
0x132: {  	p0 =	sne.s32 s19, s6;
	[tilespmem:$0x18460] =	vst v28;
	v28 =	vadd.s32 v4, v63  }
.Ltmp2:
0x133: {  	[tilespmem:$0x18470] =	vst v28;
	(pc) =	sbr.rel @p0 .LBB2_1-.Ltmp2, $4  }
0x134: {  	[hbm4b:s4+s14] =	stream.indirect.scatter [tilespmem:s16], [sflag:$0x3], $0x100, s15, s14, $0xb8;
	[tilespmem:$0x18500] =	vst v63  }
0x135: {  	_ =	swait.ge [sflag:s18], $0x8000  }
0x136: {  	[sflag:s18] =	ssyncset.done $0x0  }
0x137: {  	[sflag:s18] =	ssyncadd.s32 $0xFFFF8000  }
0x138: {  	_ =	sfence.sel $0x180000  }
0x139: {  	[bflag:$0x0] =	sbarrier.arrive $0xFFFF  }
0x13a: {  	p0 =	sne.s32 s0, $0x0;
	_ =	strace $0x90000047  }
0x13b: {  	s0 =	sadd.s32 @!p0 $0x100000, s2;
	[bflag:$0x2] =	sbarrier.arrive $0xFFFF  }
0x13c: {  	[sflag:s0] =	ssyncadd.tile.s32 @!p0 $0x1;
	_ =	shalt  }
.Lfunc_end2:
_tile_overlayer_lowered:
.L_overlay_start_2:
0x13d: {  	(tag) =	ssettag $0x2  }
0x13e: {  	s0 =	rddreg [dreg:$0x0];
	s2 =	stileid.u32  }
0x13f: {  	s1 =	rddreg [dreg:$0x1];
	p0 =	sne.s32 s2, $0x0  }
0x140: {  	s3 =	rddreg [dreg:$0x2];
	[bflag:$0x3] =	sbarrier.arrive $0xFFFF;
	s2 =	simm.s32 @!p0 $0x1C04  }
0x141: {  	[timem:s3], [sflag:s2] =	dma.local @!p0 [hbm:s0], s1  }
0x142: {  	s0 =	simm.s32 @!p0 $0x4  }
0x143: {  	_ =	swait.ge @!p0 [sflag:s0], s1  }
0x144: {  	s1 =	ssub.s32 @!p0 $0x0, s1;
	[sflag:s0] =	ssyncset.done @!p0 $0x0  }
0x145: {  	[sflag:s0] =	ssyncadd.s32 @!p0 s1  }
0x146: {  	[bflag:$0x3] =	sbarrier.arrive $0xFFFF  }
0x147: {  	_ =	shalt  }

</sc_bundles>
